<compile_context>
chip_gen: v7x
topology: tpu7x:2x2x1
jax: 0.10.2.dev20260603
libtpu: 0.0.44.dev20260713+nightly
codegen_flags: <defaults>
</compile_context>

<pallas_src>
import functools

import jax
import jax.numpy as jnp
from jax import lax
from jax.experimental import pallas as pl
from jax.experimental.pallas import tpu as pltpu
from jax.experimental.pallas import tpu_sc as plsc

B = 16384
D = 32
V8 = 125000
KB = 2048
NBLK = (V8 + KB - 1) // KB
NC = 2
NS = 16
NW = NC * NS
B_PER_W = B // NW
RND = 32
N_RND = B_PER_W // RND


def _pack_body(ut_ref, it_ref, out_ref):
    out_ref[:, :, 0:D] = ut_ref[...].T.reshape(KB, 8, D)
    out_ref[:, :, D:2 * D] = it_ref[...].T.reshape(KB, 8, D)


def _pack(ut_t, it_t):
    return pl.pallas_call(
        _pack_body,
        grid=(NBLK,),
        in_specs=[
            pl.BlockSpec((D, 8 * KB), lambda i: (0, i)),
            pl.BlockSpec((D, 8 * KB), lambda i: (0, i)),
        ],
        out_specs=pl.BlockSpec((KB, 8, 128), lambda i: (i, 0, 0)),
        out_shape=jax.ShapeDtypeStruct((V8, 8, 128), jnp.float32),
    )(ut_t, it_t)


@functools.cache
def _make_sc_gather():
    mesh = plsc.VectorSubcoreMesh(
        core_axis_name="c", subcore_axis_name="s",
        num_cores=NC, num_subcores=NS)

    @functools.partial(
        pl.kernel,
        out_type=[
            jax.ShapeDtypeStruct((B, D), jnp.float32),
            jax.ShapeDtypeStruct((B, D), jnp.float32),
        ],
        mesh=mesh,
        scratch_types=[
            pltpu.VMEM((B_PER_W,), jnp.int32),
            pltpu.VMEM((B_PER_W,), jnp.int32),
            pltpu.VMEM((RND,), jnp.int32),
            pltpu.VMEM((RND,), jnp.int32),
            pltpu.VMEM((RND, 8, 128), jnp.float32),
            pltpu.VMEM((RND, 8, 128), jnp.float32),
            pltpu.VMEM((RND, D), jnp.float32),
            pltpu.VMEM((RND, D), jnp.float32),
            pltpu.SemaphoreType.DMA,
            pltpu.SemaphoreType.DMA,
        ],
        compiler_params=pltpu.CompilerParams(
            use_tc_tiling_on_sc=True, needs_layout_passes=False),
    )
    def sc_gather(tab_s, uid, pid, out_u, out_i,
                  uidx_v, iidx_v, utid_v, itid_v, usl_v, isl_v,
                  ust_v, ist_v, sem_u, sem_i):
        wid = lax.axis_index("s") * NC + lax.axis_index("c")
        base = wid * B_PER_W
        pltpu.sync_copy(uid.at[pl.ds(base, B_PER_W)], uidx_v)
        pltpu.sync_copy(pid.at[pl.ds(base, B_PER_W)], iidx_v)

        lane = lax.iota(jnp.int32, 16)

        def round_body(r, _):
            for g in range(RND // 16):
                vu = uidx_v[pl.ds(r * RND + g * 16, 16)]
                vi = iidx_v[pl.ds(r * RND + g * 16, 16)]
                utid_v[pl.ds(g * 16, 16)] = lax.shift_right_logical(vu, 3)
                itid_v[pl.ds(g * 16, 16)] = lax.shift_right_logical(vi, 3)
            cu = pltpu.async_copy(tab_s.at[utid_v], usl_v, sem_u)
            ci = pltpu.async_copy(tab_s.at[itid_v], isl_v, sem_i)
            cu.wait()
            ci.wait()
            for g in range(RND // 16):
                vu = uidx_v[pl.ds(r * RND + g * 16, 16)]
                vi = iidx_v[pl.ds(r * RND + g * 16, 16)]
                su = lax.bitwise_and(vu, 7)
                si = lax.bitwise_and(vi, 7)
                row = lane + g * 16
                for d in range(D):
                    dv = jnp.full((16,), d, jnp.int32)
                    wu = plsc.load_gather(usl_v, [row, su, dv])
                    wi = plsc.load_gather(isl_v, [row, si, dv + D])
                    plsc.store_scatter(ust_v, [row, dv], wu)
                    plsc.store_scatter(ist_v, [row, dv], wi)
            dst = pl.multiple_of(base + r * RND, RND)
            pltpu.sync_copy(ust_v, out_u.at[pl.ds(dst, RND)])
            pltpu.sync_copy(ist_v, out_i.at[pl.ds(dst, RND)])
            return 0

        lax.fori_loop(0, N_RND, round_body, 0)

    return sc_gather


def _mlp_body(ue_ref, ie_ref, w1u_ref, w1i_ref, b1_ref, w2_ref, b2_ref,
              w3_ref, b3_ref, out_ref):
    h = (
        jnp.dot(ue_ref[...], w1u_ref[...], preferred_element_type=jnp.float32)
        + jnp.dot(ie_ref[...], w1i_ref[...], preferred_element_type=jnp.float32)
        + b1_ref[...]
    )
    h = jnp.maximum(h, 0.0)
    h = jnp.dot(h, w2_ref[...], preferred_element_type=jnp.float32) + b2_ref[...]
    h = jnp.maximum(h, 0.0)
    out_ref[...] = (
        jnp.dot(h, w3_ref[...], preferred_element_type=jnp.float32) + b3_ref[...]
    )


def _mlp(ue, ie, w1u, w1i, b1, w2, b2, w3, b3, block_b=2048):
    grid = (B // block_b,)
    full = lambda shape: pl.BlockSpec(shape, lambda i: (0, 0))
    return pl.pallas_call(
        _mlp_body,
        grid=grid,
        in_specs=[
            pl.BlockSpec((block_b, D), lambda i: (i, 0)),
            pl.BlockSpec((block_b, D), lambda i: (i, 0)),
            full((D, 64)),
            full((D, 64)),
            full((1, 64)),
            full((64, 32)),
            full((1, 32)),
            full((32, 1)),
            full((1, 1)),
        ],
        out_specs=pl.BlockSpec((block_b, 1), lambda i: (i, 0)),
        out_shape=jax.ShapeDtypeStruct((B, 1), jnp.float32),
    )(ue, ie, w1u, w1i, b1, w2, b2, w3, b3)


def kernel(user_id, product_id, user_table, item_table, W1, b1, gamma, beta,
           moving_mean, moving_var, W2, b2, W3, b3):
    uid = user_id.astype(jnp.int32)
    pid = product_id.astype(jnp.int32)
    tab3 = _pack(user_table.T, item_table.T)
    ue, ie = _make_sc_gather()(tab3, uid, pid)

    s = gamma / jnp.sqrt(moving_var + 1e-3)
    t = beta - moving_mean * s
    w2f = W2 * s[:, None]
    b2f = b2 + t @ W2

    return _mlp(
        ue, ie,
        W1[:D], W1[D:], b1[None, :],
        w2f, b2f[None, :],
        W3, b3[None, :],
    )

# --- scband reference (transcript-rebuilt; emitter-appended) ---
"""Pipeline reference for scband-ncfmodel-79826262163690 (READ-ONLY COPY).

The authoritative reference and input builder live on the scoring server;
editing this copy changes nothing except your own understanding.
"""

import jax, jax.numpy as jnp
import numpy as np

B = 16384
VU = 1000000 + 1  # +1 OOV row as in StringLookup
VI = 1000000 + 1
D = 32

def setup_inputs(seed: int = 0) -> dict:
    key = jax.random.key(seed)
    ks = jax.random.split(key, 12)
    user_id = jax.random.randint(ks[0], (B,), 0, 1000000, dtype=jnp.int64) if jax.config.jax_enable_x64 else jax.random.randint(ks[0], (B,), 0, 1000000, dtype=jnp.int32)
    product_id = jax.random.randint(ks[1], (B,), 0, 1000000, dtype=jnp.int64) if jax.config.jax_enable_x64 else jax.random.randint(ks[1], (B,), 0, 1000000, dtype=jnp.int32)
    user_table = jax.random.normal(ks[2], (VU, D), dtype=jnp.float32) * 0.05
    item_table = jax.random.normal(ks[3], (VI, D), dtype=jnp.float32) * 0.05
    W1 = jax.random.normal(ks[4], (2 * D, 64), dtype=jnp.float32) * (1.0 / np.sqrt(2 * D))
    b1 = jnp.zeros((64,), dtype=jnp.float32)
    gamma = jnp.ones((64,), dtype=jnp.float32)
    beta = jnp.zeros((64,), dtype=jnp.float32)
    moving_mean = jnp.zeros((64,), dtype=jnp.float32)
    moving_var = jnp.ones((64,), dtype=jnp.float32)
    W2 = jax.random.normal(ks[5], (64, 32), dtype=jnp.float32) * (1.0 / np.sqrt(64))
    b2 = jnp.zeros((32,), dtype=jnp.float32)
    W3 = jax.random.normal(ks[6], (32, 1), dtype=jnp.float32) * (1.0 / np.sqrt(32))
    b3 = jnp.zeros((1,), dtype=jnp.float32)
    return {
        'user_id': user_id, 'product_id': product_id,
        'user_table': user_table, 'item_table': item_table,
        'W1': W1, 'b1': b1, 'gamma': gamma, 'beta': beta,
        'moving_mean': moving_mean, 'moving_var': moving_var,
        'W2': W2, 'b2': b2, 'W3': W3, 'b3': b3,
    }


def reference(user_id, product_id, user_table, item_table, W1, b1, gamma, beta,
              moving_mean, moving_var, W2, b2, W3, b3):
    # Embedding lookups (StringLookup already collapsed to int ids)
    user_emb = jnp.take(user_table, user_id, axis=0)   # [B, D]
    item_emb = jnp.take(item_table, product_id, axis=0)  # [B, D]
    x = jnp.concatenate([user_emb, item_emb], axis=1)  # [B, 2D]
    # Dense(64, relu)
    h = jax.nn.relu(x @ W1 + b1)
    # BatchNormalization (inference mode, keras epsilon=1e-3)
    h = gamma * (h - moving_mean) / jnp.sqrt(moving_var + 1e-3) + beta
    # Dropout is identity at inference
    # Dense(32, relu)
    h = jax.nn.relu(h @ W2 + b2)
    # Dense(1)
    out = h @ W3 + b3
    return out

if __name__ == "__main__":
    import jax
    _d = setup_inputs()
    print(jax.jit(kernel)(*tuple(_d.values())))

</pallas_src>

<mosaic_0001>
#map = affine_map<(d0, d1) -> (0, 0, 0)>
#map1 = affine_map<(d0, d1) -> (0)>
#map2 = affine_map<(d0, d1) -> (0, 0)>
module attributes {stable_mosaic.version = 14 : i64} {
  func.func @sc_gather(%arg0: i32, %arg1: i32, %arg2: memref<125000x8x128xf32, #tpu.memory_space<hbm>>, %arg3: memref<16384xi32, #tpu.memory_space<hbm>>, %arg4: memref<16384xi32, #tpu.memory_space<hbm>>, %arg5: memref<16384x32xf32, #tpu.memory_space<hbm>>, %arg6: memref<16384x32xf32, #tpu.memory_space<hbm>>, %arg7: memref<512xi32, #tpu.memory_space<vmem>>, %arg8: memref<512xi32, #tpu.memory_space<vmem>>, %arg9: memref<32xi32, #tpu.memory_space<vmem>>, %arg10: memref<32xi32, #tpu.memory_space<vmem>>, %arg11: memref<32x8x128xf32, #tpu.memory_space<vmem>>, %arg12: memref<32x8x128xf32, #tpu.memory_space<vmem>>, %arg13: memref<32x32xf32, #tpu.memory_space<vmem>>, %arg14: memref<32x32xf32, #tpu.memory_space<vmem>>, %arg15: memref<!tpu.dma_semaphore, #tpu.memory_space<semaphore_mem>>, %arg16: memref<!tpu.dma_semaphore, #tpu.memory_space<semaphore_mem>>) attributes {dimension_semantics = [#tpu.dimension_semantics<core_parallel>, #tpu.dimension_semantics<subcore_parallel>], iteration_bounds = array<i64: 2, 16>, scalar_prefetch = 0 : i64, scratch_operands = 10 : i64, tpu.core_type = #tpu.core_type<sc_vector_subcore>, window_params = [{transform_indices = #map}, {transform_indices = #map1}, {transform_indices = #map1}, {transform_indices = #map2}, {transform_indices = #map2}]} {
    %mul3A = arith.constant 2 : i32
    %mul3A_0 = arith.muli %arg1, %mul3A : i32
    %add3A = arith.addi %mul3A_0, %arg0 : i32
    %mul3A_1 = arith.constant 512 : i32
    %mul3A_2 = arith.muli %add3A, %mul3A_1 : i32
    "tpu.region"() ({
      %run_scoped3A = tpu.sem_alloc : memref<!tpu.dma_semaphore, #tpu.memory_space<semaphore_mem>>
      %dma_start3A = tpu.memref_slice %arg3[%mul3A_2] : memref<16384xi32, #tpu.memory_space<hbm>> -> memref<512xi32, #tpu.memory_space<hbm>>
      %dma_start3A_9 = tpu.memref_slice %arg3[%mul3A_2] : memref<16384xi32, #tpu.memory_space<hbm>> -> memref<512xi32, #tpu.memory_space<hbm>>
      tpu.enqueue_dma source(%dma_start3A_9 : memref<512xi32, #tpu.memory_space<hbm>>) target(%arg7 : memref<512xi32, #tpu.memory_space<vmem>>) target_semaphore(%run_scoped3A : memref<!tpu.dma_semaphore, #tpu.memory_space<semaphore_mem>>)
      %dma_wait3A = tpu.memref_slice %arg3[%mul3A_2] : memref<16384xi32, #tpu.memory_space<hbm>> -> memref<512xi32, #tpu.memory_space<hbm>>
      %dma_wait3A_10 = tpu.memref_slice %arg3[%mul3A_2] : memref<16384xi32, #tpu.memory_space<hbm>> -> memref<512xi32, #tpu.memory_space<hbm>>
      tpu.wait_dma2 semaphore(%run_scoped3A : memref<!tpu.dma_semaphore, #tpu.memory_space<semaphore_mem>>) src(%dma_wait3A_10 : memref<512xi32, #tpu.memory_space<hbm>>) dst(%arg7 : memref<512xi32, #tpu.memory_space<vmem>>)
      tpu.yield
    }) : () -> ()
    "tpu.region"() ({
      %run_scoped3A = tpu.sem_alloc : memref<!tpu.dma_semaphore, #tpu.memory_space<semaphore_mem>>
      %dma_start3A = tpu.memref_slice %arg4[%mul3A_2] : memref<16384xi32, #tpu.memory_space<hbm>> -> memref<512xi32, #tpu.memory_space<hbm>>
      %dma_start3A_9 = tpu.memref_slice %arg4[%mul3A_2] : memref<16384xi32, #tpu.memory_space<hbm>> -> memref<512xi32, #tpu.memory_space<hbm>>
      tpu.enqueue_dma source(%dma_start3A_9 : memref<512xi32, #tpu.memory_space<hbm>>) target(%arg8 : memref<512xi32, #tpu.memory_space<vmem>>) target_semaphore(%run_scoped3A : memref<!tpu.dma_semaphore, #tpu.memory_space<semaphore_mem>>)
      %dma_wait3A = tpu.memref_slice %arg4[%mul3A_2] : memref<16384xi32, #tpu.memory_space<hbm>> -> memref<512xi32, #tpu.memory_space<hbm>>
      %dma_wait3A_10 = tpu.memref_slice %arg4[%mul3A_2] : memref<16384xi32, #tpu.memory_space<hbm>> -> memref<512xi32, #tpu.memory_space<hbm>>
      tpu.wait_dma2 semaphore(%run_scoped3A : memref<!tpu.dma_semaphore, #tpu.memory_space<semaphore_mem>>) src(%dma_wait3A_10 : memref<512xi32, #tpu.memory_space<hbm>>) dst(%arg8 : memref<512xi32, #tpu.memory_space<vmem>>)
      tpu.yield
    }) : () -> ()
    %iota3A = tpu.iota {dimensions = array<i32: 0>} : vector<16xi32>
    %scan3A = arith.constant 0 : i32
    %scan3A_3 = arith.constant 0 : i32
    %scan3A_4 = arith.constant 16 : i32
    %scan3A_5 = arith.addi %scan3A_3, %scan3A_4 : i32
    %scan3A_6 = arith.constant 1 : i32
    %scan3A_7 = scf.for %scan3A_9 = %scan3A_3 to %scan3A_5 step %scan3A_6 iter_args(%scan3A_10 = %scan3A) -> (i32)  : i32 {
      %mul3A_11 = arith.constant 32 : i32
      %mul3A_12 = arith.muli %scan3A_9, %mul3A_11 : i32
      %add3A_13 = arith.constant 0 : i32
      %add3A_14 = arith.addi %mul3A_12, %add3A_13 : i32
      %get3A = arith.index_cast %add3A_14 : i32 to index
      %get3A_15 = tpu.vector_load %arg7[%get3A] {strides = array<i32>} : memref<512xi32, #tpu.memory_space<vmem>>, vector<16xi32>,
      %mul3A_16 = arith.constant 32 : i32
      %mul3A_17 = arith.muli %scan3A_9, %mul3A_16 : i32
      %add3A_18 = arith.constant 0 : i32
      %add3A_19 = arith.addi %mul3A_17, %add3A_18 : i32
      %get3A_20 = arith.index_cast %add3A_19 : i32 to index
      %get3A_21 = tpu.vector_load %arg8[%get3A_20] {strides = array<i32>} : memref<512xi32, #tpu.memory_space<vmem>>, vector<16xi32>,
      %shift_right_logical3A = arith.constant 3 : i32
      %shift_right_logical3A_22 = vector.broadcast %shift_right_logical3A : i32 to vector<16xi32>
      %shift_right_logical3A_23 = arith.shrui %get3A_15, %shift_right_logical3A_22 : vector<16xi32>
      %swap3A = arith.constant 0 : index
      %swap3A_24 = tpu.vector_load %arg9[%swap3A] {strides = array<i32>} : memref<32xi32, #tpu.memory_space<vmem>>, vector<16xi32>,
      tpu.vector_store %arg9[%swap3A], %shift_right_logical3A_23 {strides = array<i32>} : memref<32xi32, #tpu.memory_space<vmem>>, vector<16xi32>,
      %shift_right_logical3A_25 = arith.constant 3 : i32
      %shift_right_logical3A_26 = vector.broadcast %shift_right_logical3A_25 : i32 to vector<16xi32>
      %shift_right_logical3A_27 = arith.shrui %get3A_21, %shift_right_logical3A_26 : vector<16xi32>
      %swap3A_28 = arith.constant 0 : index
      %swap3A_29 = tpu.vector_load %arg10[%swap3A_28] {strides = array<i32>} : memref<32xi32, #tpu.memory_space<vmem>>, vector<16xi32>,
      tpu.vector_store %arg10[%swap3A_28], %shift_right_logical3A_27 {strides = array<i32>} : memref<32xi32, #tpu.memory_space<vmem>>, vector<16xi32>,
      %mul3A_30 = arith.constant 32 : i32
      %mul3A_31 = arith.muli %scan3A_9, %mul3A_30 : i32
      %add3A_32 = arith.constant 16 : i32
      %add3A_33 = arith.addi %mul3A_31, %add3A_32 : i32
      %get3A_34 = arith.index_cast %add3A_33 : i32 to index
      %get3A_35 = tpu.vector_load %arg7[%get3A_34] {strides = array<i32>} : memref<512xi32, #tpu.memory_space<vmem>>, vector<16xi32>,
      %mul3A_36 = arith.constant 32 : i32
      %mul3A_37 = arith.muli %scan3A_9, %mul3A_36 : i32
      %add3A_38 = arith.constant 16 : i32
      %add3A_39 = arith.addi %mul3A_37, %add3A_38 : i32
      %get3A_40 = arith.index_cast %add3A_39 : i32 to index
      %get3A_41 = tpu.vector_load %arg8[%get3A_40] {strides = array<i32>} : memref<512xi32, #tpu.memory_space<vmem>>, vector<16xi32>,
      %shift_right_logical3A_42 = arith.constant 3 : i32
      %shift_right_logical3A_43 = vector.broadcast %shift_right_logical3A_42 : i32 to vector<16xi32>
      %shift_right_logical3A_44 = arith.shrui %get3A_35, %shift_right_logical3A_43 : vector<16xi32>
      %swap3A_45 = arith.constant 16 : index
      %swap3A_46 = tpu.vector_load %arg9[%swap3A_45] {strides = array<i32>} : memref<32xi32, #tpu.memory_space<vmem>>, vector<16xi32>,
      tpu.vector_store %arg9[%swap3A_45], %shift_right_logical3A_44 {strides = array<i32>} : memref<32xi32, #tpu.memory_space<vmem>>, vector<16xi32>,
      %shift_right_logical3A_47 = arith.constant 3 : i32
      %shift_right_logical3A_48 = vector.broadcast %shift_right_logical3A_47 : i32 to vector<16xi32>
      %shift_right_logical3A_49 = arith.shrui %get3A_41, %shift_right_logical3A_48 : vector<16xi32>
      %swap3A_50 = arith.constant 16 : index
      %swap3A_51 = tpu.vector_load %arg10[%swap3A_50] {strides = array<i32>} : memref<32xi32, #tpu.memory_space<vmem>>, vector<16xi32>,
      tpu.vector_store %arg10[%swap3A_50], %shift_right_logical3A_49 {strides = array<i32>} : memref<32xi32, #tpu.memory_space<vmem>>, vector<16xi32>,
      %dma_start3A = arith.constant 0 : i32
      %dma_start3A_52 = arith.constant 0 : i32
      %dma_start3A_53 = arith.constant 0 : i32
      %dma_start3A_54 = tpu.memref_slice %arg2[%dma_start3A, %dma_start3A_52, %dma_start3A_53] : memref<125000x8x128xf32, #tpu.memory_space<hbm>> -> memref<125000x8x128xf32, #tpu.memory_space<hbm>>
      tpu.enqueue_indirect_dma source(%dma_start3A_54 : memref<125000x8x128xf32, #tpu.memory_space<hbm>>) target(%arg11 : memref<32x8x128xf32, #tpu.memory_space<vmem>>) offsets(%arg9 : memref<32xi32, #tpu.memory_space<vmem>>) semaphore(%arg15 : memref<!tpu.dma_semaphore, #tpu.memory_space<semaphore_mem>>)
      %dma_start3A_55 = arith.constant 0 : i32
      %dma_start3A_56 = arith.constant 0 : i32
      %dma_start3A_57 = arith.constant 0 : i32
      %dma_start3A_58 = tpu.memref_slice %arg2[%dma_start3A_55, %dma_start3A_56, %dma_start3A_57] : memref<125000x8x128xf32, #tpu.memory_space<hbm>> -> memref<125000x8x128xf32, #tpu.memory_space<hbm>>
      tpu.enqueue_indirect_dma source(%dma_start3A_58 : memref<125000x8x128xf32, #tpu.memory_space<hbm>>) target(%arg12 : memref<32x8x128xf32, #tpu.memory_space<vmem>>) offsets(%arg10 : memref<32xi32, #tpu.memory_space<vmem>>) semaphore(%arg16 : memref<!tpu.dma_semaphore, #tpu.memory_space<semaphore_mem>>)
      %dma_wait3A = arith.constant 0 : i32
      %dma_wait3A_59 = arith.constant 0 : i32
      %dma_wait3A_60 = arith.constant 0 : i32
      %dma_wait3A_61 = tpu.memref_slice %arg2[%dma_wait3A, %dma_wait3A_59, %dma_wait3A_60] : memref<125000x8x128xf32, #tpu.memory_space<hbm>> -> memref<125000x8x128xf32, #tpu.memory_space<hbm>>
      tpu.wait_indirect_dma semaphore(%arg15 : memref<!tpu.dma_semaphore, #tpu.memory_space<semaphore_mem>>) src(%dma_wait3A_61 : memref<125000x8x128xf32, #tpu.memory_space<hbm>>) dst(%arg11 : memref<32x8x128xf32, #tpu.memory_space<vmem>>)
      %dma_wait3A_62 = arith.constant 0 : i32
      %dma_wait3A_63 = arith.constant 0 : i32
      %dma_wait3A_64 = arith.constant 0 : i32
      %dma_wait3A_65 = tpu.memref_slice %arg2[%dma_wait3A_62, %dma_wait3A_63, %dma_wait3A_64] : memref<125000x8x128xf32, #tpu.memory_space<hbm>> -> memref<125000x8x128xf32, #tpu.memory_space<hbm>>
      tpu.wait_indirect_dma semaphore(%arg16 : memref<!tpu.dma_semaphore, #tpu.memory_space<semaphore_mem>>) src(%dma_wait3A_65 : memref<125000x8x128xf32, #tpu.memory_space<hbm>>) dst(%arg12 : memref<32x8x128xf32, #tpu.memory_space<vmem>>)
      %mul3A_66 = arith.constant 32 : i32
      %mul3A_67 = arith.muli %scan3A_9, %mul3A_66 : i32
      %add3A_68 = arith.constant 0 : i32
      %add3A_69 = arith.addi %mul3A_67, %add3A_68 : i32
      %get3A_70 = arith.index_cast %add3A_69 : i32 to index
      %get3A_71 = tpu.vector_load %arg7[%get3A_70] {strides = array<i32>} : memref<512xi32, #tpu.memory_space<vmem>>, vector<16xi32>,
      %mul3A_72 = arith.constant 32 : i32
      %mul3A_73 = arith.muli %scan3A_9, %mul3A_72 : i32
      %add3A_74 = arith.constant 0 : i32
      %add3A_75 = arith.addi %mul3A_73, %add3A_74 : i32
      %get3A_76 = arith.index_cast %add3A_75 : i32 to index
      %get3A_77 = tpu.vector_load %arg8[%get3A_76] {strides = array<i32>} : memref<512xi32, #tpu.memory_space<vmem>>, vector<16xi32>,
      %and3A = arith.constant 7 : i32
      %and3A_78 = vector.broadcast %and3A : i32 to vector<16xi32>
      %and3A_79 = arith.andi %get3A_71, %and3A_78 : vector<16xi32>
      %and3A_80 = arith.constant 7 : i32
      %and3A_81 = vector.broadcast %and3A_80 : i32 to vector<16xi32>
      %and3A_82 = arith.andi %get3A_77, %and3A_81 : vector<16xi32>
      %add3A_83 = arith.constant 0 : i32
      %add3A_84 = vector.broadcast %add3A_83 : i32 to vector<16xi32>
      %add3A_85 = arith.addi %iota3A, %add3A_84 : vector<16xi32>
      %broadcast_in_dim3A = arith.constant 0 : i32
      %broadcast_in_dim3A_86 = vector.broadcast %broadcast_in_dim3A : i32 to vector<16xi32>
      %gather3A = tpu.vector_load_idx %arg11[%add3A_85, %and3A_79, %broadcast_in_dim3A_86] : memref<32x8x128xf32, #tpu.memory_space<vmem>>[vector<16xi32>, vector<16xi32>, vector<16xi32>], vector<16xf32>,
      %add3A_87 = arith.constant 32 : i32
      %add3A_88 = vector.broadcast %add3A_87 : i32 to vector<16xi32>
      %add3A_89 = arith.addi %broadcast_in_dim3A_86, %add3A_88 : vector<16xi32>
      %gather3A_90 = tpu.vector_load_idx %arg12[%add3A_85, %and3A_82, %add3A_89] : memref<32x8x128xf32, #tpu.memory_space<vmem>>[vector<16xi32>, vector<16xi32>, vector<16xi32>], vector<16xf32>,
      tpu.vector_store_idx %arg13[%add3A_85, %broadcast_in_dim3A_86], %gather3A : memref<32x32xf32, #tpu.memory_space<vmem>>[vector<16xi32>, vector<16xi32>], vector<16xf32>,
      tpu.vector_store_idx %arg14[%add3A_85, %broadcast_in_dim3A_86], %gather3A_90 : memref<32x32xf32, #tpu.memory_space<vmem>>[vector<16xi32>, vector<16xi32>], vector<16xf32>,
      %broadcast_in_dim3A_91 = arith.constant 1 : i32
      %broadcast_in_dim3A_92 = vector.broadcast %broadcast_in_dim3A_91 : i32 to vector<16xi32>
      %gather3A_93 = tpu.vector_load_idx %arg11[%add3A_85, %and3A_79, %broadcast_in_dim3A_92] : memref<32x8x128xf32, #tpu.memory_space<vmem>>[vector<16xi32>, vector<16xi32>, vector<16xi32>], vector<16xf32>,
      %add3A_94 = arith.constant 32 : i32
      %add3A_95 = vector.broadcast %add3A_94 : i32 to vector<16xi32>
      %add3A_96 = arith.addi %broadcast_in_dim3A_92, %add3A_95 : vector<16xi32>
      %gather3A_97 = tpu.vector_load_idx %arg12[%add3A_85, %and3A_82, %add3A_96] : memref<32x8x128xf32, #tpu.memory_space<vmem>>[vector<16xi32>, vector<16xi32>, vector<16xi32>], vector<16xf32>,
      tpu.vector_store_idx %arg13[%add3A_85, %broadcast_in_dim3A_92], %gather3A_93 : memref<32x32xf32, #tpu.memory_space<vmem>>[vector<16xi32>, vector<16xi32>], vector<16xf32>,
      tpu.vector_store_idx %arg14[%add3A_85, %broadcast_in_dim3A_92], %gather3A_97 : memref<32x32xf32, #tpu.memory_space<vmem>>[vector<16xi32>, vector<16xi32>], vector<16xf32>,
      %broadcast_in_dim3A_98 = arith.constant 2 : i32
      %broadcast_in_dim3A_99 = vector.broadcast %broadcast_in_dim3A_98 : i32 to vector<16xi32>
      %gather3A_100 = tpu.vector_load_idx %arg11[%add3A_85, %and3A_79, %broadcast_in_dim3A_99] : memref<32x8x128xf32, #tpu.memory_space<vmem>>[vector<16xi32>, vector<16xi32>, vector<16xi32>], vector<16xf32>,
      %add3A_101 = arith.constant 32 : i32
      %add3A_102 = vector.broadcast %add3A_101 : i32 to vector<16xi32>
      %add3A_103 = arith.addi %broadcast_in_dim3A_99, %add3A_102 : vector<16xi32>
      %gather3A_104 = tpu.vector_load_idx %arg12[%add3A_85, %and3A_82, %add3A_103] : memref<32x8x128xf32, #tpu.memory_space<vmem>>[vector<16xi32>, vector<16xi32>, vector<16xi32>], vector<16xf32>,
      tpu.vector_store_idx %arg13[%add3A_85, %broadcast_in_dim3A_99], %gather3A_100 : memref<32x32xf32, #tpu.memory_space<vmem>>[vector<16xi32>, vector<16xi32>], vector<16xf32>,
      tpu.vector_store_idx %arg14[%add3A_85, %broadcast_in_dim3A_99], %gather3A_104 : memref<32x32xf32, #tpu.memory_space<vmem>>[vector<16xi32>, vector<16xi32>], vector<16xf32>,
      %broadcast_in_dim3A_105 = arith.constant 3 : i32
      %broadcast_in_dim3A_106 = vector.broadcast %broadcast_in_dim3A_105 : i32 to vector<16xi32>
      %gather3A_107 = tpu.vector_load_idx %arg11[%add3A_85, %and3A_79, %broadcast_in_dim3A_106] : memref<32x8x128xf32, #tpu.memory_space<vmem>>[vector<16xi32>, vector<16xi32>, vector<16xi32>], vector<16xf32>,
      %add3A_108 = arith.constant 32 : i32
      %add3A_109 = vector.broadcast %add3A_108 : i32 to vector<16xi32>
      %add3A_110 = arith.addi %broadcast_in_dim3A_106, %add3A_109 : vector<16xi32>
      %gather3A_111 = tpu.vector_load_idx %arg12[%add3A_85, %and3A_82, %add3A_110] : memref<32x8x128xf32, #tpu.memory_space<vmem>>[vector<16xi32>, vector<16xi32>, vector<16xi32>], vector<16xf32>,
      tpu.vector_store_idx %arg13[%add3A_85, %broadcast_in_dim3A_106], %gather3A_107 : memref<32x32xf32, #tpu.memory_space<vmem>>[vector<16xi32>, vector<16xi32>], vector<16xf32>,
      tpu.vector_store_idx %arg14[%add3A_85, %broadcast_in_dim3A_106], %gather3A_111 : memref<32x32xf32, #tpu.memory_space<vmem>>[vector<16xi32>, vector<16xi32>], vector<16xf32>,
      %broadcast_in_dim3A_112 = arith.constant 4 : i32
      %broadcast_in_dim3A_113 = vector.broadcast %broadcast_in_dim3A_112 : i32 to vector<16xi32>
      %gather3A_114 = tpu.vector_load_idx %arg11[%add3A_85, %and3A_79, %broadcast_in_dim3A_113] : memref<32x8x128xf32, #tpu.memory_space<vmem>>[vector<16xi32>, vector<16xi32>, vector<16xi32>], vector<16xf32>,
      %add3A_115 = arith.constant 32 : i32
      %add3A_116 = vector.broadcast %add3A_115 : i32 to vector<16xi32>
      %add3A_117 = arith.addi %broadcast_in_dim3A_113, %add3A_116 : vector<16xi32>
      %gather3A_118 = tpu.vector_load_idx %arg12[%add3A_85, %and3A_82, %add3A_117] : memref<32x8x128xf32, #tpu.memory_space<vmem>>[vector<16xi32>, vector<16xi32>, vector<16xi32>], vector<16xf32>,
      tpu.vector_store_idx %arg13[%add3A_85, %broadcast_in_dim3A_113], %gather3A_114 : memref<32x32xf32, #tpu.memory_space<vmem>>[vector<16xi32>, vector<16xi32>], vector<16xf32>,
      tpu.vector_store_idx %arg14[%add3A_85, %broadcast_in_dim3A_113], %gather3A_118 : memref<32x32xf32, #tpu.memory_space<vmem>>[vector<16xi32>, vector<16xi32>], vector<16xf32>,
      %broadcast_in_dim3A_119 = arith.constant 5 : i32
      %broadcast_in_dim3A_120 = vector.broadcast %broadcast_in_dim3A_119 : i32 to vector<16xi32>
      %gather3A_121 = tpu.vector_load_idx %arg11[%add3A_85, %and3A_79, %broadcast_in_dim3A_120] : memref<32x8x128xf32, #tpu.memory_space<vmem>>[vector<16xi32>, vector<16xi32>, vector<16xi32>], vector<16xf32>,
      %add3A_122 = arith.constant 32 : i32
      %add3A_123 = vector.broadcast %add3A_122 : i32 to vector<16xi32>
      %add3A_124 = arith.addi %broadcast_in_dim3A_120, %add3A_123 : vector<16xi32>
      %gather3A_125 = tpu.vector_load_idx %arg12[%add3A_85, %and3A_82, %add3A_124] : memref<32x8x128xf32, #tpu.memory_space<vmem>>[vector<16xi32>, vector<16xi32>, vector<16xi32>], vector<16xf32>,
      tpu.vector_store_idx %arg13[%add3A_85, %broadcast_in_dim3A_120], %gather3A_121 : memref<32x32xf32, #tpu.memory_space<vmem>>[vector<16xi32>, vector<16xi32>], vector<16xf32>,
      tpu.vector_store_idx %arg14[%add3A_85, %broadcast_in_dim3A_120], %gather3A_125 : memref<32x32xf32, #tpu.memory_space<vmem>>[vector<16xi32>, vector<16xi32>], vector<16xf32>,
      %broadcast_in_dim3A_126 = arith.constant 6 : i32
      %broadcast_in_dim3A_127 = vector.broadcast %broadcast_in_dim3A_126 : i32 to vector<16xi32>
      %gather3A_128 = tpu.vector_load_idx %arg11[%add3A_85, %and3A_79, %broadcast_in_dim3A_127] : memref<32x8x128xf32, #tpu.memory_space<vmem>>[vector<16xi32>, vector<16xi32>, vector<16xi32>], vector<16xf32>,
      %add3A_129 = arith.constant 32 : i32
      %add3A_130 = vector.broadcast %add3A_129 : i32 to vector<16xi32>
      %add3A_131 = arith.addi %broadcast_in_dim3A_127, %add3A_130 : vector<16xi32>
      %gather3A_132 = tpu.vector_load_idx %arg12[%add3A_85, %and3A_82, %add3A_131] : memref<32x8x128xf32, #tpu.memory_space<vmem>>[vector<16xi32>, vector<16xi32>, vector<16xi32>], vector<16xf32>,
      tpu.vector_store_idx %arg13[%add3A_85, %broadcast_in_dim3A_127], %gather3A_128 : memref<32x32xf32, #tpu.memory_space<vmem>>[vector<16xi32>, vector<16xi32>], vector<16xf32>,
      tpu.vector_store_idx %arg14[%add3A_85, %broadcast_in_dim3A_127], %gather3A_132 : memref<32x32xf32, #tpu.memory_space<vmem>>[vector<16xi32>, vector<16xi32>], vector<16xf32>,
      %broadcast_in_dim3A_133 = arith.constant 7 : i32
      %broadcast_in_dim3A_134 = vector.broadcast %broadcast_in_dim3A_133 : i32 to vector<16xi32>
      %gather3A_135 = tpu.vector_load_idx %arg11[%add3A_85, %and3A_79, %broadcast_in_dim3A_134] : memref<32x8x128xf32, #tpu.memory_space<vmem>>[vector<16xi32>, vector<16xi32>, vector<16xi32>], vector<16xf32>,
      %add3A_136 = arith.constant 32 : i32
      %add3A_137 = vector.broadcast %add3A_136 : i32 to vector<16xi32>
      %add3A_138 = arith.addi %broadcast_in_dim3A_134, %add3A_137 : vector<16xi32>
      %gather3A_139 = tpu.vector_load_idx %arg12[%add3A_85, %and3A_82, %add3A_138] : memref<32x8x128xf32, #tpu.memory_space<vmem>>[vector<16xi32>, vector<16xi32>, vector<16xi32>], vector<16xf32>,
      tpu.vector_store_idx %arg13[%add3A_85, %broadcast_in_dim3A_134], %gather3A_135 : memref<32x32xf32, #tpu.memory_space<vmem>>[vector<16xi32>, vector<16xi32>], vector<16xf32>,
      tpu.vector_store_idx %arg14[%add3A_85, %broadcast_in_dim3A_134], %gather3A_139 : memref<32x32xf32, #tpu.memory_space<vmem>>[vector<16xi32>, vector<16xi32>], vector<16xf32>,
      %broadcast_in_dim3A_140 = arith.constant 8 : i32
      %broadcast_in_dim3A_141 = vector.broadcast %broadcast_in_dim3A_140 : i32 to vector<16xi32>
      %gather3A_142 = tpu.vector_load_idx %arg11[%add3A_85, %and3A_79, %broadcast_in_dim3A_141] : memref<32x8x128xf32, #tpu.memory_space<vmem>>[vector<16xi32>, vector<16xi32>, vector<16xi32>], vector<16xf32>,
      %add3A_143 = arith.constant 32 : i32
      %add3A_144 = vector.broadcast %add3A_143 : i32 to vector<16xi32>
      %add3A_145 = arith.addi %broadcast_in_dim3A_141, %add3A_144 : vector<16xi32>
      %gather3A_146 = tpu.vector_load_idx %arg12[%add3A_85, %and3A_82, %add3A_145] : memref<32x8x128xf32, #tpu.memory_space<vmem>>[vector<16xi32>, vector<16xi32>, vector<16xi32>], vector<16xf32>,
      tpu.vector_store_idx %arg13[%add3A_85, %broadcast_in_dim3A_141], %gather3A_142 : memref<32x32xf32, #tpu.memory_space<vmem>>[vector<16xi32>, vector<16xi32>], vector<16xf32>,
      tpu.vector_store_idx %arg14[%add3A_85, %broadcast_in_dim3A_141], %gather3A_146 : memref<32x32xf32, #tpu.memory_space<vmem>>[vector<16xi32>, vector<16xi32>], vector<16xf32>,
      %broadcast_in_dim3A_147 = arith.constant 9 : i32
      %broadcast_in_dim3A_148 = vector.broadcast %broadcast_in_dim3A_147 : i32 to vector<16xi32>
      %gather3A_149 = tpu.vector_load_idx %arg11[%add3A_85, %and3A_79, %broadcast_in_dim3A_148] : memref<32x8x128xf32, #tpu.memory_space<vmem>>[vector<16xi32>, vector<16xi32>, vector<16xi32>], vector<16xf32>,
      %add3A_150 = arith.constant 32 : i32
      %add3A_151 = vector.broadcast %add3A_150 : i32 to vector<16xi32>
      %add3A_152 = arith.addi %broadcast_in_dim3A_148, %add3A_151 : vector<16xi32>
      %gather3A_153 = tpu.vector_load_idx %arg12[%add3A_85, %and3A_82, %add3A_152] : memref<32x8x128xf32, #tpu.memory_space<vmem>>[vector<16xi32>, vector<16xi32>, vector<16xi32>], vector<16xf32>,
      tpu.vector_store_idx %arg13[%add3A_85, %broadcast_in_dim3A_148], %gather3A_149 : memref<32x32xf32, #tpu.memory_space<vmem>>[vector<16xi32>, vector<16xi32>], vector<16xf32>,
      tpu.vector_store_idx %arg14[%add3A_85, %broadcast_in_dim3A_148], %gather3A_153 : memref<32x32xf32, #tpu.memory_space<vmem>>[vector<16xi32>, vector<16xi32>], vector<16xf32>,
      %broadcast_in_dim3A_154 = arith.constant 10 : i32
      %broadcast_in_dim3A_155 = vector.broadcast %broadcast_in_dim3A_154 : i32 to vector<16xi32>
      %gather3A_156 = tpu.vector_load_idx %arg11[%add3A_85, %and3A_79, %broadcast_in_dim3A_155] : memref<32x8x128xf32, #tpu.memory_space<vmem>>[vector<16xi32>, vector<16xi32>, vector<16xi32>], vector<16xf32>,
      %add3A_157 = arith.constant 32 : i32
      %add3A_158 = vector.broadcast %add3A_157 : i32 to vector<16xi32>
      %add3A_159 = arith.addi %broadcast_in_dim3A_155, %add3A_158 : vector<16xi32>
      %gather3A_160 = tpu.vector_load_idx %arg12[%add3A_85, %and3A_82, %add3A_159] : memref<32x8x128xf32, #tpu.memory_space<vmem>>[vector<16xi32>, vector<16xi32>, vector<16xi32>], vector<16xf32>,
      tpu.vector_store_idx %arg13[%add3A_85, %broadcast_in_dim3A_155], %gather3A_156 : memref<32x32xf32, #tpu.memory_space<vmem>>[vector<16xi32>, vector<16xi32>], vector<16xf32>,
      tpu.vector_store_idx %arg14[%add3A_85, %broadcast_in_dim3A_155], %gather3A_160 : memref<32x32xf32, #tpu.memory_space<vmem>>[vector<16xi32>, vector<16xi32>], vector<16xf32>,
      %broadcast_in_dim3A_161 = arith.constant 11 : i32
      %broadcast_in_dim3A_162 = vector.broadcast %broadcast_in_dim3A_161 : i32 to vector<16xi32>
      %gather3A_163 = tpu.vector_load_idx %arg11[%add3A_85, %and3A_79, %broadcast_in_dim3A_162] : memref<32x8x128xf32, #tpu.memory_space<vmem>>[vector<16xi32>, vector<16xi32>, vector<16xi32>], vector<16xf32>,
      %add3A_164 = arith.constant 32 : i32
      %add3A_165 = vector.broadcast %add3A_164 : i32 to vector<16xi32>
      %add3A_166 = arith.addi %broadcast_in_dim3A_162, %add3A_165 : vector<16xi32>
      %gather3A_167 = tpu.vector_load_idx %arg12[%add3A_85, %and3A_82, %add3A_166] : memref<32x8x128xf32, #tpu.memory_space<vmem>>[vector<16xi32>, vector<16xi32>, vector<16xi32>], vector<16xf32>,
      tpu.vector_store_idx %arg13[%add3A_85, %broadcast_in_dim3A_162], %gather3A_163 : memref<32x32xf32, #tpu.memory_space<vmem>>[vector<16xi32>, vector<16xi32>], vector<16xf32>,
      tpu.vector_store_idx %arg14[%add3A_85, %broadcast_in_dim3A_162], %gather3A_167 : memref<32x32xf32, #tpu.memory_space<vmem>>[vector<16xi32>, vector<16xi32>], vector<16xf32>,
      %broadcast_in_dim3A_168 = arith.constant 12 : i32
      %broadcast_in_dim3A_169 = vector.broadcast %broadcast_in_dim3A_168 : i32 to vector<16xi32>
      %gather3A_170 = tpu.vector_load_idx %arg11[%add3A_85, %and3A_79, %broadcast_in_dim3A_169] : memref<32x8x128xf32, #tpu.memory_space<vmem>>[vector<16xi32>, vector<16xi32>, vector<16xi32>], vector<16xf32>,
      %add3A_171 = arith.constant 32 : i32
      %add3A_172 = vector.broadcast %add3A_171 : i32 to vector<16xi32>
      %add3A_173 = arith.addi %broadcast_in_dim3A_169, %add3A_172 : vector<16xi32>
      %gather3A_174 = tpu.vector_load_idx %arg12[%add3A_85, %and3A_82, %add3A_173] : memref<32x8x128xf32, #tpu.memory_space<vmem>>[vector<16xi32>, vector<16xi32>, vector<16xi32>], vector<16xf32>,
      tpu.vector_store_idx %arg13[%add3A_85, %broadcast_in_dim3A_169], %gather3A_170 : memref<32x32xf32, #tpu.memory_space<vmem>>[vector<16xi32>, vector<16xi32>], vector<16xf32>,
      tpu.vector_store_idx %arg14[%add3A_85, %broadcast_in_dim3A_169], %gather3A_174 : memref<32x32xf32, #tpu.memory_space<vmem>>[vector<16xi32>, vector<16xi32>], vector<16xf32>,
      %broadcast_in_dim3A_175 = arith.constant 13 : i32
      %broadcast_in_dim3A_176 = vector.broadcast %broadcast_in_dim3A_175 : i32 to vector<16xi32>
      %gather3A_177 = tpu.vector_load_idx %arg11[%add3A_85, %and3A_79, %broadcast_in_dim3A_176] : memref<32x8x128xf32, #tpu.memory_space<vmem>>[vector<16xi32>, vector<16xi32>, vector<16xi32>], vector<16xf32>,
      %add3A_178 = arith.constant 32 : i32
      %add3A_179 = vector.broadcast %add3A_178 : i32 to vector<16xi32>
      %add3A_180 = arith.addi %broadcast_in_dim3A_176, %add3A_179 : vector<16xi32>
      %gather3A_181 = tpu.vector_load_idx %arg12[%add3A_85, %and3A_82, %add3A_180] : memref<32x8x128xf32, #tpu.memory_space<vmem>>[vector<16xi32>, vector<16xi32>, vector<16xi32>], vector<16xf32>,
      tpu.vector_store_idx %arg13[%add3A_85, %broadcast_in_dim3A_176], %gather3A_177 : memref<32x32xf32, #tpu.memory_space<vmem>>[vector<16xi32>, vector<16xi32>], vector<16xf32>,
      tpu.vector_store_idx %arg14[%add3A_85, %broadcast_in_dim3A_176], %gather3A_181 : memref<32x32xf32, #tpu.memory_space<vmem>>[vector<16xi32>, vector<16xi32>], vector<16xf32>,
      %broadcast_in_dim3A_182 = arith.constant 14 : i32
      %broadcast_in_dim3A_183 = vector.broadcast %broadcast_in_dim3A_182 : i32 to vector<16xi32>
      %gather3A_184 = tpu.vector_load_idx %arg11[%add3A_85, %and3A_79, %broadcast_in_dim3A_183] : memref<32x8x128xf32, #tpu.memory_space<vmem>>[vector<16xi32>, vector<16xi32>, vector<16xi32>], vector<16xf32>,
      %add3A_185 = arith.constant 32 : i32
      %add3A_186 = vector.broadcast %add3A_185 : i32 to vector<16xi32>
      %add3A_187 = arith.addi %broadcast_in_dim3A_183, %add3A_186 : vector<16xi32>
      %gather3A_188 = tpu.vector_load_idx %arg12[%add3A_85, %and3A_82, %add3A_187] : memref<32x8x128xf32, #tpu.memory_space<vmem>>[vector<16xi32>, vector<16xi32>, vector<16xi32>], vector<16xf32>,
      tpu.vector_store_idx %arg13[%add3A_85, %broadcast_in_dim3A_183], %gather3A_184 : memref<32x32xf32, #tpu.memory_space<vmem>>[vector<16xi32>, vector<16xi32>], vector<16xf32>,
      tpu.vector_store_idx %arg14[%add3A_85, %broadcast_in_dim3A_183], %gather3A_188 : memref<32x32xf32, #tpu.memory_space<vmem>>[vector<16xi32>, vector<16xi32>], vector<16xf32>,
      %broadcast_in_dim3A_189 = arith.constant 15 : i32
      %broadcast_in_dim3A_190 = vector.broadcast %broadcast_in_dim3A_189 : i32 to vector<16xi32>
      %gather3A_191 = tpu.vector_load_idx %arg11[%add3A_85, %and3A_79, %broadcast_in_dim3A_190] : memref<32x8x128xf32, #tpu.memory_space<vmem>>[vector<16xi32>, vector<16xi32>, vector<16xi32>], vector<16xf32>,
      %add3A_192 = arith.constant 32 : i32
      %add3A_193 = vector.broadcast %add3A_192 : i32 to vector<16xi32>
      %add3A_194 = arith.addi %broadcast_in_dim3A_190, %add3A_193 : vector<16xi32>
      %gather3A_195 = tpu.vector_load_idx %arg12[%add3A_85, %and3A_82, %add3A_194] : memref<32x8x128xf32, #tpu.memory_space<vmem>>[vector<16xi32>, vector<16xi32>, vector<16xi32>], vector<16xf32>,
      tpu.vector_store_idx %arg13[%add3A_85, %broadcast_in_dim3A_190], %gather3A_191 : memref<32x32xf32, #tpu.memory_space<vmem>>[vector<16xi32>, vector<16xi32>], vector<16xf32>,
      tpu.vector_store_idx %arg14[%add3A_85, %broadcast_in_dim3A_190], %gather3A_195 : memref<32x32xf32, #tpu.memory_space<vmem>>[vector<16xi32>, vector<16xi32>], vector<16xf32>,
      %broadcast_in_dim3A_196 = arith.constant 16 : i32
      %broadcast_in_dim3A_197 = vector.broadcast %broadcast_in_dim3A_196 : i32 to vector<16xi32>
      %gather3A_198 = tpu.vector_load_idx %arg11[%add3A_85, %and3A_79, %broadcast_in_dim3A_197] : memref<32x8x128xf32, #tpu.memory_space<vmem>>[vector<16xi32>, vector<16xi32>, vector<16xi32>], vector<16xf32>,
      %add3A_199 = arith.constant 32 : i32
      %add3A_200 = vector.broadcast %add3A_199 : i32 to vector<16xi32>
      %add3A_201 = arith.addi %broadcast_in_dim3A_197, %add3A_200 : vector<16xi32>
      %gather3A_202 = tpu.vector_load_idx %arg12[%add3A_85, %and3A_82, %add3A_201] : memref<32x8x128xf32, #tpu.memory_space<vmem>>[vector<16xi32>, vector<16xi32>, vector<16xi32>], vector<16xf32>,
      tpu.vector_store_idx %arg13[%add3A_85, %broadcast_in_dim3A_197], %gather3A_198 : memref<32x32xf32, #tpu.memory_space<vmem>>[vector<16xi32>, vector<16xi32>], vector<16xf32>,
      tpu.vector_store_idx %arg14[%add3A_85, %broadcast_in_dim3A_197], %gather3A_202 : memref<32x32xf32, #tpu.memory_space<vmem>>[vector<16xi32>, vector<16xi32>], vector<16xf32>,
      %broadcast_in_dim3A_203 = arith.constant 17 : i32
      %broadcast_in_dim3A_204 = vector.broadcast %broadcast_in_dim3A_203 : i32 to vector<16xi32>
      %gather3A_205 = tpu.vector_load_idx %arg11[%add3A_85, %and3A_79, %broadcast_in_dim3A_204] : memref<32x8x128xf32, #tpu.memory_space<vmem>>[vector<16xi32>, vector<16xi32>, vector<16xi32>], vector<16xf32>,
      %add3A_206 = arith.constant 32 : i32
      %add3A_207 = vector.broadcast %add3A_206 : i32 to vector<16xi32>
      %add3A_208 = arith.addi %broadcast_in_dim3A_204, %add3A_207 : vector<16xi32>
      %gather3A_209 = tpu.vector_load_idx %arg12[%add3A_85, %and3A_82, %add3A_208] : memref<32x8x128xf32, #tpu.memory_space<vmem>>[vector<16xi32>, vector<16xi32>, vector<16xi32>], vector<16xf32>,
      tpu.vector_store_idx %arg13[%add3A_85, %broadcast_in_dim3A_204], %gather3A_205 : memref<32x32xf32, #tpu.memory_space<vmem>>[vector<16xi32>, vector<16xi32>], vector<16xf32>,
      tpu.vector_store_idx %arg14[%add3A_85, %broadcast_in_dim3A_204], %gather3A_209 : memref<32x32xf32, #tpu.memory_space<vmem>>[vector<16xi32>, vector<16xi32>], vector<16xf32>,
      %broadcast_in_dim3A_210 = arith.constant 18 : i32
      %broadcast_in_dim3A_211 = vector.broadcast %broadcast_in_dim3A_210 : i32 to vector<16xi32>
      %gather3A_212 = tpu.vector_load_idx %arg11[%add3A_85, %and3A_79, %broadcast_in_dim3A_211] : memref<32x8x128xf32, #tpu.memory_space<vmem>>[vector<16xi32>, vector<16xi32>, vector<16xi32>], vector<16xf32>,
      %add3A_213 = arith.constant 32 : i32
      %add3A_214 = vector.broadcast %add3A_213 : i32 to vector<16xi32>
      %add3A_215 = arith.addi %broadcast_in_dim3A_211, %add3A_214 : vector<16xi32>
      %gather3A_216 = tpu.vector_load_idx %arg12[%add3A_85, %and3A_82, %add3A_215] : memref<32x8x128xf32, #tpu.memory_space<vmem>>[vector<16xi32>, vector<16xi32>, vector<16xi32>], vector<16xf32>,
      tpu.vector_store_idx %arg13[%add3A_85, %broadcast_in_dim3A_211], %gather3A_212 : memref<32x32xf32, #tpu.memory_space<vmem>>[vector<16xi32>, vector<16xi32>], vector<16xf32>,
      tpu.vector_store_idx %arg14[%add3A_85, %broadcast_in_dim3A_211], %gather3A_216 : memref<32x32xf32, #tpu.memory_space<vmem>>[vector<16xi32>, vector<16xi32>], vector<16xf32>,
      %broadcast_in_dim3A_217 = arith.constant 19 : i32
      %broadcast_in_dim3A_218 = vector.broadcast %broadcast_in_dim3A_217 : i32 to vector<16xi32>
      %gather3A_219 = tpu.vector_load_idx %arg11[%add3A_85, %and3A_79, %broadcast_in_dim3A_218] : memref<32x8x128xf32, #tpu.memory_space<vmem>>[vector<16xi32>, vector<16xi32>, vector<16xi32>], vector<16xf32>,
      %add3A_220 = arith.constant 32 : i32
      %add3A_221 = vector.broadcast %add3A_220 : i32 to vector<16xi32>
      %add3A_222 = arith.addi %broadcast_in_dim3A_218, %add3A_221 : vector<16xi32>
      %gather3A_223 = tpu.vector_load_idx %arg12[%add3A_85, %and3A_82, %add3A_222] : memref<32x8x128xf32, #tpu.memory_space<vmem>>[vector<16xi32>, vector<16xi32>, vector<16xi32>], vector<16xf32>,
      tpu.vector_store_idx %arg13[%add3A_85, %broadcast_in_dim3A_218], %gather3A_219 : memref<32x32xf32, #tpu.memory_space<vmem>>[vector<16xi32>, vector<16xi32>], vector<16xf32>,
      tpu.vector_store_idx %arg14[%add3A_85, %broadcast_in_dim3A_218], %gather3A_223 : memref<32x32xf32, #tpu.memory_space<vmem>>[vector<16xi32>, vector<16xi32>], vector<16xf32>,
      %broadcast_in_dim3A_224 = arith.constant 20 : i32
      %broadcast_in_dim3A_225 = vector.broadcast %broadcast_in_dim3A_224 : i32 to vector<16xi32>
      %gather3A_226 = tpu.vector_load_idx %arg11[%add3A_85, %and3A_79, %broadcast_in_dim3A_225] : memref<32x8x128xf32, #tpu.memory_space<vmem>>[vector<16xi32>, vector<16xi32>, vector<16xi32>], vector<16xf32>,
      %add3A_227 = arith.constant 32 : i32
      %add3A_228 = vector.broadcast %add3A_227 : i32 to vector<16xi32>
      %add3A_229 = arith.addi %broadcast_in_dim3A_225, %add3A_228 : vector<16xi32>
      %gather3A_230 = tpu.vector_load_idx %arg12[%add3A_85, %and3A_82, %add3A_229] : memref<32x8x128xf32, #tpu.memory_space<vmem>>[vector<16xi32>, vector<16xi32>, vector<16xi32>], vector<16xf32>,
      tpu.vector_store_idx %arg13[%add3A_85, %broadcast_in_dim3A_225], %gather3A_226 : memref<32x32xf32, #tpu.memory_space<vmem>>[vector<16xi32>, vector<16xi32>], vector<16xf32>,
      tpu.vector_store_idx %arg14[%add3A_85, %broadcast_in_dim3A_225], %gather3A_230 : memref<32x32xf32, #tpu.memory_space<vmem>>[vector<16xi32>, vector<16xi32>], vector<16xf32>,
      %broadcast_in_dim3A_231 = arith.constant 21 : i32
      %broadcast_in_dim3A_232 = vector.broadcast %broadcast_in_dim3A_231 : i32 to vector<16xi32>
      %gather3A_233 = tpu.vector_load_idx %arg11[%add3A_85, %and3A_79, %broadcast_in_dim3A_232] : memref<32x8x128xf32, #tpu.memory_space<vmem>>[vector<16xi32>, vector<16xi32>, vector<16xi32>], vector<16xf32>,
      %add3A_234 = arith.constant 32 : i32
      %add3A_235 = vector.broadcast %add3A_234 : i32 to vector<16xi32>
      %add3A_236 = arith.addi %broadcast_in_dim3A_232, %add3A_235 : vector<16xi32>
      %gather3A_237 = tpu.vector_load_idx %arg12[%add3A_85, %and3A_82, %add3A_236] : memref<32x8x128xf32, #tpu.memory_space<vmem>>[vector<16xi32>, vector<16xi32>, vector<16xi32>], vector<16xf32>,
      tpu.vector_store_idx %arg13[%add3A_85, %broadcast_in_dim3A_232], %gather3A_233 : memref<32x32xf32, #tpu.memory_space<vmem>>[vector<16xi32>, vector<16xi32>], vector<16xf32>,
      tpu.vector_store_idx %arg14[%add3A_85, %broadcast_in_dim3A_232], %gather3A_237 : memref<32x32xf32, #tpu.memory_space<vmem>>[vector<16xi32>, vector<16xi32>], vector<16xf32>,
      %broadcast_in_dim3A_238 = arith.constant 22 : i32
      %broadcast_in_dim3A_239 = vector.broadcast %broadcast_in_dim3A_238 : i32 to vector<16xi32>
      %gather3A_240 = tpu.vector_load_idx %arg11[%add3A_85, %and3A_79, %broadcast_in_dim3A_239] : memref<32x8x128xf32, #tpu.memory_space<vmem>>[vector<16xi32>, vector<16xi32>, vector<16xi32>], vector<16xf32>,
      %add3A_241 = arith.constant 32 : i32
      %add3A_242 = vector.broadcast %add3A_241 : i32 to vector<16xi32>
      %add3A_243 = arith.addi %broadcast_in_dim3A_239, %add3A_242 : vector<16xi32>
      %gather3A_244 = tpu.vector_load_idx %arg12[%add3A_85, %and3A_82, %add3A_243] : memref<32x8x128xf32, #tpu.memory_space<vmem>>[vector<16xi32>, vector<16xi32>, vector<16xi32>], vector<16xf32>,
      tpu.vector_store_idx %arg13[%add3A_85, %broadcast_in_dim3A_239], %gather3A_240 : memref<32x32xf32, #tpu.memory_space<vmem>>[vector<16xi32>, vector<16xi32>], vector<16xf32>,
      tpu.vector_store_idx %arg14[%add3A_85, %broadcast_in_dim3A_239], %gather3A_244 : memref<32x32xf32, #tpu.memory_space<vmem>>[vector<16xi32>, vector<16xi32>], vector<16xf32>,
      %broadcast_in_dim3A_245 = arith.constant 23 : i32
      %broadcast_in_dim3A_246 = vector.broadcast %broadcast_in_dim3A_245 : i32 to vector<16xi32>
      %gather3A_247 = tpu.vector_load_idx %arg11[%add3A_85, %and3A_79, %broadcast_in_dim3A_246] : memref<32x8x128xf32, #tpu.memory_space<vmem>>[vector<16xi32>, vector<16xi32>, vector<16xi32>], vector<16xf32>,
      %add3A_248 = arith.constant 32 : i32
      %add3A_249 = vector.broadcast %add3A_248 : i32 to vector<16xi32>
      %add3A_250 = arith.addi %broadcast_in_dim3A_246, %add3A_249 : vector<16xi32>
      %gather3A_251 = tpu.vector_load_idx %arg12[%add3A_85, %and3A_82, %add3A_250] : memref<32x8x128xf32, #tpu.memory_space<vmem>>[vector<16xi32>, vector<16xi32>, vector<16xi32>], vector<16xf32>,
      tpu.vector_store_idx %arg13[%add3A_85, %broadcast_in_dim3A_246], %gather3A_247 : memref<32x32xf32, #tpu.memory_space<vmem>>[vector<16xi32>, vector<16xi32>], vector<16xf32>,
      tpu.vector_store_idx %arg14[%add3A_85, %broadcast_in_dim3A_246], %gather3A_251 : memref<32x32xf32, #tpu.memory_space<vmem>>[vector<16xi32>, vector<16xi32>], vector<16xf32>,
      %broadcast_in_dim3A_252 = arith.constant 24 : i32
      %broadcast_in_dim3A_253 = vector.broadcast %broadcast_in_dim3A_252 : i32 to vector<16xi32>
      %gather3A_254 = tpu.vector_load_idx %arg11[%add3A_85, %and3A_79, %broadcast_in_dim3A_253] : memref<32x8x128xf32, #tpu.memory_space<vmem>>[vector<16xi32>, vector<16xi32>, vector<16xi32>], vector<16xf32>,
      %add3A_255 = arith.constant 32 : i32
      %add3A_256 = vector.broadcast %add3A_255 : i32 to vector<16xi32>
      %add3A_257 = arith.addi %broadcast_in_dim3A_253, %add3A_256 : vector<16xi32>
      %gather3A_258 = tpu.vector_load_idx %arg12[%add3A_85, %and3A_82, %add3A_257] : memref<32x8x128xf32, #tpu.memory_space<vmem>>[vector<16xi32>, vector<16xi32>, vector<16xi32>], vector<16xf32>,
      tpu.vector_store_idx %arg13[%add3A_85, %broadcast_in_dim3A_253], %gather3A_254 : memref<32x32xf32, #tpu.memory_space<vmem>>[vector<16xi32>, vector<16xi32>], vector<16xf32>,
      tpu.vector_store_idx %arg14[%add3A_85, %broadcast_in_dim3A_253], %gather3A_258 : memref<32x32xf32, #tpu.memory_space<vmem>>[vector<16xi32>, vector<16xi32>], vector<16xf32>,
      %broadcast_in_dim3A_259 = arith.constant 25 : i32
      %broadcast_in_dim3A_260 = vector.broadcast %broadcast_in_dim3A_259 : i32 to vector<16xi32>
      %gather3A_261 = tpu.vector_load_idx %arg11[%add3A_85, %and3A_79, %broadcast_in_dim3A_260] : memref<32x8x128xf32, #tpu.memory_space<vmem>>[vector<16xi32>, vector<16xi32>, vector<16xi32>], vector<16xf32>,
      %add3A_262 = arith.constant 32 : i32
      %add3A_263 = vector.broadcast %add3A_262 : i32 to vector<16xi32>
      %add3A_264 = arith.addi %broadcast_in_dim3A_260, %add3A_263 : vector<16xi32>
      %gather3A_265 = tpu.vector_load_idx %arg12[%add3A_85, %and3A_82, %add3A_264] : memref<32x8x128xf32, #tpu.memory_space<vmem>>[vector<16xi32>, vector<16xi32>, vector<16xi32>], vector<16xf32>,
      tpu.vector_store_idx %arg13[%add3A_85, %broadcast_in_dim3A_260], %gather3A_261 : memref<32x32xf32, #tpu.memory_space<vmem>>[vector<16xi32>, vector<16xi32>], vector<16xf32>,
      tpu.vector_store_idx %arg14[%add3A_85, %broadcast_in_dim3A_260], %gather3A_265 : memref<32x32xf32, #tpu.memory_space<vmem>>[vector<16xi32>, vector<16xi32>], vector<16xf32>,
      %broadcast_in_dim3A_266 = arith.constant 26 : i32
      %broadcast_in_dim3A_267 = vector.broadcast %broadcast_in_dim3A_266 : i32 to vector<16xi32>
      %gather3A_268 = tpu.vector_load_idx %arg11[%add3A_85, %and3A_79, %broadcast_in_dim3A_267] : memref<32x8x128xf32, #tpu.memory_space<vmem>>[vector<16xi32>, vector<16xi32>, vector<16xi32>], vector<16xf32>,
      %add3A_269 = arith.constant 32 : i32
      %add3A_270 = vector.broadcast %add3A_269 : i32 to vector<16xi32>
      %add3A_271 = arith.addi %broadcast_in_dim3A_267, %add3A_270 : vector<16xi32>
      %gather3A_272 = tpu.vector_load_idx %arg12[%add3A_85, %and3A_82, %add3A_271] : memref<32x8x128xf32, #tpu.memory_space<vmem>>[vector<16xi32>, vector<16xi32>, vector<16xi32>], vector<16xf32>,
      tpu.vector_store_idx %arg13[%add3A_85, %broadcast_in_dim3A_267], %gather3A_268 : memref<32x32xf32, #tpu.memory_space<vmem>>[vector<16xi32>, vector<16xi32>], vector<16xf32>,
      tpu.vector_store_idx %arg14[%add3A_85, %broadcast_in_dim3A_267], %gather3A_272 : memref<32x32xf32, #tpu.memory_space<vmem>>[vector<16xi32>, vector<16xi32>], vector<16xf32>,
      %broadcast_in_dim3A_273 = arith.constant 27 : i32
      %broadcast_in_dim3A_274 = vector.broadcast %broadcast_in_dim3A_273 : i32 to vector<16xi32>
      %gather3A_275 = tpu.vector_load_idx %arg11[%add3A_85, %and3A_79, %broadcast_in_dim3A_274] : memref<32x8x128xf32, #tpu.memory_space<vmem>>[vector<16xi32>, vector<16xi32>, vector<16xi32>], vector<16xf32>,
      %add3A_276 = arith.constant 32 : i32
      %add3A_277 = vector.broadcast %add3A_276 : i32 to vector<16xi32>
      %add3A_278 = arith.addi %broadcast_in_dim3A_274, %add3A_277 : vector<16xi32>
      %gather3A_279 = tpu.vector_load_idx %arg12[%add3A_85, %and3A_82, %add3A_278] : memref<32x8x128xf32, #tpu.memory_space<vmem>>[vector<16xi32>, vector<16xi32>, vector<16xi32>], vector<16xf32>,
      tpu.vector_store_idx %arg13[%add3A_85, %broadcast_in_dim3A_274], %gather3A_275 : memref<32x32xf32, #tpu.memory_space<vmem>>[vector<16xi32>, vector<16xi32>], vector<16xf32>,
      tpu.vector_store_idx %arg14[%add3A_85, %broadcast_in_dim3A_274], %gather3A_279 : memref<32x32xf32, #tpu.memory_space<vmem>>[vector<16xi32>, vector<16xi32>], vector<16xf32>,
      %broadcast_in_dim3A_280 = arith.constant 28 : i32
      %broadcast_in_dim3A_281 = vector.broadcast %broadcast_in_dim3A_280 : i32 to vector<16xi32>
      %gather3A_282 = tpu.vector_load_idx %arg11[%add3A_85, %and3A_79, %broadcast_in_dim3A_281] : memref<32x8x128xf32, #tpu.memory_space<vmem>>[vector<16xi32>, vector<16xi32>, vector<16xi32>], vector<16xf32>,
      %add3A_283 = arith.constant 32 : i32
      %add3A_284 = vector.broadcast %add3A_283 : i32 to vector<16xi32>
      %add3A_285 = arith.addi %broadcast_in_dim3A_281, %add3A_284 : vector<16xi32>
      %gather3A_286 = tpu.vector_load_idx %arg12[%add3A_85, %and3A_82, %add3A_285] : memref<32x8x128xf32, #tpu.memory_space<vmem>>[vector<16xi32>, vector<16xi32>, vector<16xi32>], vector<16xf32>,
      tpu.vector_store_idx %arg13[%add3A_85, %broadcast_in_dim3A_281], %gather3A_282 : memref<32x32xf32, #tpu.memory_space<vmem>>[vector<16xi32>, vector<16xi32>], vector<16xf32>,
      tpu.vector_store_idx %arg14[%add3A_85, %broadcast_in_dim3A_281], %gather3A_286 : memref<32x32xf32, #tpu.memory_space<vmem>>[vector<16xi32>, vector<16xi32>], vector<16xf32>,
      %broadcast_in_dim3A_287 = arith.constant 29 : i32
      %broadcast_in_dim3A_288 = vector.broadcast %broadcast_in_dim3A_287 : i32 to vector<16xi32>
      %gather3A_289 = tpu.vector_load_idx %arg11[%add3A_85, %and3A_79, %broadcast_in_dim3A_288] : memref<32x8x128xf32, #tpu.memory_space<vmem>>[vector<16xi32>, vector<16xi32>, vector<16xi32>], vector<16xf32>,
      %add3A_290 = arith.constant 32 : i32
      %add3A_291 = vector.broadcast %add3A_290 : i32 to vector<16xi32>
      %add3A_292 = arith.addi %broadcast_in_dim3A_288, %add3A_291 : vector<16xi32>
      %gather3A_293 = tpu.vector_load_idx %arg12[%add3A_85, %and3A_82, %add3A_292] : memref<32x8x128xf32, #tpu.memory_space<vmem>>[vector<16xi32>, vector<16xi32>, vector<16xi32>], vector<16xf32>,
      tpu.vector_store_idx %arg13[%add3A_85, %broadcast_in_dim3A_288], %gather3A_289 : memref<32x32xf32, #tpu.memory_space<vmem>>[vector<16xi32>, vector<16xi32>], vector<16xf32>,
      tpu.vector_store_idx %arg14[%add3A_85, %broadcast_in_dim3A_288], %gather3A_293 : memref<32x32xf32, #tpu.memory_space<vmem>>[vector<16xi32>, vector<16xi32>], vector<16xf32>,
      %broadcast_in_dim3A_294 = arith.constant 30 : i32
      %broadcast_in_dim3A_295 = vector.broadcast %broadcast_in_dim3A_294 : i32 to vector<16xi32>
      %gather3A_296 = tpu.vector_load_idx %arg11[%add3A_85, %and3A_79, %broadcast_in_dim3A_295] : memref<32x8x128xf32, #tpu.memory_space<vmem>>[vector<16xi32>, vector<16xi32>, vector<16xi32>], vector<16xf32>,
      %add3A_297 = arith.constant 32 : i32
      %add3A_298 = vector.broadcast %add3A_297 : i32 to vector<16xi32>
      %add3A_299 = arith.addi %broadcast_in_dim3A_295, %add3A_298 : vector<16xi32>
      %gather3A_300 = tpu.vector_load_idx %arg12[%add3A_85, %and3A_82, %add3A_299] : memref<32x8x128xf32, #tpu.memory_space<vmem>>[vector<16xi32>, vector<16xi32>, vector<16xi32>], vector<16xf32>,
      tpu.vector_store_idx %arg13[%add3A_85, %broadcast_in_dim3A_295], %gather3A_296 : memref<32x32xf32, #tpu.memory_space<vmem>>[vector<16xi32>, vector<16xi32>], vector<16xf32>,
      tpu.vector_store_idx %arg14[%add3A_85, %broadcast_in_dim3A_295], %gather3A_300 : memref<32x32xf32, #tpu.memory_space<vmem>>[vector<16xi32>, vector<16xi32>], vector<16xf32>,
      %broadcast_in_dim3A_301 = arith.constant 31 : i32
      %broadcast_in_dim3A_302 = vector.broadcast %broadcast_in_dim3A_301 : i32 to vector<16xi32>
      %gather3A_303 = tpu.vector_load_idx %arg11[%add3A_85, %and3A_79, %broadcast_in_dim3A_302] : memref<32x8x128xf32, #tpu.memory_space<vmem>>[vector<16xi32>, vector<16xi32>, vector<16xi32>], vector<16xf32>,
      %add3A_304 = arith.constant 32 : i32
      %add3A_305 = vector.broadcast %add3A_304 : i32 to vector<16xi32>
      %add3A_306 = arith.addi %broadcast_in_dim3A_302, %add3A_305 : vector<16xi32>
      %gather3A_307 = tpu.vector_load_idx %arg12[%add3A_85, %and3A_82, %add3A_306] : memref<32x8x128xf32, #tpu.memory_space<vmem>>[vector<16xi32>, vector<16xi32>, vector<16xi32>], vector<16xf32>,
      tpu.vector_store_idx %arg13[%add3A_85, %broadcast_in_dim3A_302], %gather3A_303 : memref<32x32xf32, #tpu.memory_space<vmem>>[vector<16xi32>, vector<16xi32>], vector<16xf32>,
      tpu.vector_store_idx %arg14[%add3A_85, %broadcast_in_dim3A_302], %gather3A_307 : memref<32x32xf32, #tpu.memory_space<vmem>>[vector<16xi32>, vector<16xi32>], vector<16xf32>,
      %mul3A_308 = arith.constant 32 : i32
      %mul3A_309 = arith.muli %scan3A_9, %mul3A_308 : i32
      %add3A_310 = arith.constant 16 : i32
      %add3A_311 = arith.addi %mul3A_309, %add3A_310 : i32
      %get3A_312 = arith.index_cast %add3A_311 : i32 to index
      %get3A_313 = tpu.vector_load %arg7[%get3A_312] {strides = array<i32>} : memref<512xi32, #tpu.memory_space<vmem>>, vector<16xi32>,
      %mul3A_314 = arith.constant 32 : i32
      %mul3A_315 = arith.muli %scan3A_9, %mul3A_314 : i32
      %add3A_316 = arith.constant 16 : i32
      %add3A_317 = arith.addi %mul3A_315, %add3A_316 : i32
      %get3A_318 = arith.index_cast %add3A_317 : i32 to index
      %get3A_319 = tpu.vector_load %arg8[%get3A_318] {strides = array<i32>} : memref<512xi32, #tpu.memory_space<vmem>>, vector<16xi32>,
      %and3A_320 = arith.constant 7 : i32
      %and3A_321 = vector.broadcast %and3A_320 : i32 to vector<16xi32>
      %and3A_322 = arith.andi %get3A_313, %and3A_321 : vector<16xi32>
      %and3A_323 = arith.constant 7 : i32
      %and3A_324 = vector.broadcast %and3A_323 : i32 to vector<16xi32>
      %and3A_325 = arith.andi %get3A_319, %and3A_324 : vector<16xi32>
      %add3A_326 = arith.constant 16 : i32
      %add3A_327 = vector.broadcast %add3A_326 : i32 to vector<16xi32>
      %add3A_328 = arith.addi %iota3A, %add3A_327 : vector<16xi32>
      %broadcast_in_dim3A_329 = arith.constant 0 : i32
      %broadcast_in_dim3A_330 = vector.broadcast %broadcast_in_dim3A_329 : i32 to vector<16xi32>
      %gather3A_331 = tpu.vector_load_idx %arg11[%add3A_328, %and3A_322, %broadcast_in_dim3A_330] : memref<32x8x128xf32, #tpu.memory_space<vmem>>[vector<16xi32>, vector<16xi32>, vector<16xi32>], vector<16xf32>,
      %add3A_332 = arith.constant 32 : i32
      %add3A_333 = vector.broadcast %add3A_332 : i32 to vector<16xi32>
      %add3A_334 = arith.addi %broadcast_in_dim3A_330, %add3A_333 : vector<16xi32>
      %gather3A_335 = tpu.vector_load_idx %arg12[%add3A_328, %and3A_325, %add3A_334] : memref<32x8x128xf32, #tpu.memory_space<vmem>>[vector<16xi32>, vector<16xi32>, vector<16xi32>], vector<16xf32>,
      tpu.vector_store_idx %arg13[%add3A_328, %broadcast_in_dim3A_330], %gather3A_331 : memref<32x32xf32, #tpu.memory_space<vmem>>[vector<16xi32>, vector<16xi32>], vector<16xf32>,
      tpu.vector_store_idx %arg14[%add3A_328, %broadcast_in_dim3A_330], %gather3A_335 : memref<32x32xf32, #tpu.memory_space<vmem>>[vector<16xi32>, vector<16xi32>], vector<16xf32>,
      %broadcast_in_dim3A_336 = arith.constant 1 : i32
      %broadcast_in_dim3A_337 = vector.broadcast %broadcast_in_dim3A_336 : i32 to vector<16xi32>
      %gather3A_338 = tpu.vector_load_idx %arg11[%add3A_328, %and3A_322, %broadcast_in_dim3A_337] : memref<32x8x128xf32, #tpu.memory_space<vmem>>[vector<16xi32>, vector<16xi32>, vector<16xi32>], vector<16xf32>,
      %add3A_339 = arith.constant 32 : i32
      %add3A_340 = vector.broadcast %add3A_339 : i32 to vector<16xi32>
      %add3A_341 = arith.addi %broadcast_in_dim3A_337, %add3A_340 : vector<16xi32>
      %gather3A_342 = tpu.vector_load_idx %arg12[%add3A_328, %and3A_325, %add3A_341] : memref<32x8x128xf32, #tpu.memory_space<vmem>>[vector<16xi32>, vector<16xi32>, vector<16xi32>], vector<16xf32>,
      tpu.vector_store_idx %arg13[%add3A_328, %broadcast_in_dim3A_337], %gather3A_338 : memref<32x32xf32, #tpu.memory_space<vmem>>[vector<16xi32>, vector<16xi32>], vector<16xf32>,
      tpu.vector_store_idx %arg14[%add3A_328, %broadcast_in_dim3A_337], %gather3A_342 : memref<32x32xf32, #tpu.memory_space<vmem>>[vector<16xi32>, vector<16xi32>], vector<16xf32>,
      %broadcast_in_dim3A_343 = arith.constant 2 : i32
      %broadcast_in_dim3A_344 = vector.broadcast %broadcast_in_dim3A_343 : i32 to vector<16xi32>
      %gather3A_345 = tpu.vector_load_idx %arg11[%add3A_328, %and3A_322, %broadcast_in_dim3A_344] : memref<32x8x128xf32, #tpu.memory_space<vmem>>[vector<16xi32>, vector<16xi32>, vector<16xi32>], vector<16xf32>,
      %add3A_346 = arith.constant 32 : i32
      %add3A_347 = vector.broadcast %add3A_346 : i32 to vector<16xi32>
      %add3A_348 = arith.addi %broadcast_in_dim3A_344, %add3A_347 : vector<16xi32>
      %gather3A_349 = tpu.vector_load_idx %arg12[%add3A_328, %and3A_325, %add3A_348] : memref<32x8x128xf32, #tpu.memory_space<vmem>>[vector<16xi32>, vector<16xi32>, vector<16xi32>], vector<16xf32>,
      tpu.vector_store_idx %arg13[%add3A_328, %broadcast_in_dim3A_344], %gather3A_345 : memref<32x32xf32, #tpu.memory_space<vmem>>[vector<16xi32>, vector<16xi32>], vector<16xf32>,
      tpu.vector_store_idx %arg14[%add3A_328, %broadcast_in_dim3A_344], %gather3A_349 : memref<32x32xf32, #tpu.memory_space<vmem>>[vector<16xi32>, vector<16xi32>], vector<16xf32>,
      %broadcast_in_dim3A_350 = arith.constant 3 : i32
      %broadcast_in_dim3A_351 = vector.broadcast %broadcast_in_dim3A_350 : i32 to vector<16xi32>
      %gather3A_352 = tpu.vector_load_idx %arg11[%add3A_328, %and3A_322, %broadcast_in_dim3A_351] : memref<32x8x128xf32, #tpu.memory_space<vmem>>[vector<16xi32>, vector<16xi32>, vector<16xi32>], vector<16xf32>,
      %add3A_353 = arith.constant 32 : i32
      %add3A_354 = vector.broadcast %add3A_353 : i32 to vector<16xi32>
      %add3A_355 = arith.addi %broadcast_in_dim3A_351, %add3A_354 : vector<16xi32>
      %gather3A_356 = tpu.vector_load_idx %arg12[%add3A_328, %and3A_325, %add3A_355] : memref<32x8x128xf32, #tpu.memory_space<vmem>>[vector<16xi32>, vector<16xi32>, vector<16xi32>], vector<16xf32>,
      tpu.vector_store_idx %arg13[%add3A_328, %broadcast_in_dim3A_351], %gather3A_352 : memref<32x32xf32, #tpu.memory_space<vmem>>[vector<16xi32>, vector<16xi32>], vector<16xf32>,
      tpu.vector_store_idx %arg14[%add3A_328, %broadcast_in_dim3A_351], %gather3A_356 : memref<32x32xf32, #tpu.memory_space<vmem>>[vector<16xi32>, vector<16xi32>], vector<16xf32>,
      %broadcast_in_dim3A_357 = arith.constant 4 : i32
      %broadcast_in_dim3A_358 = vector.broadcast %broadcast_in_dim3A_357 : i32 to vector<16xi32>
      %gather3A_359 = tpu.vector_load_idx %arg11[%add3A_328, %and3A_322, %broadcast_in_dim3A_358] : memref<32x8x128xf32, #tpu.memory_space<vmem>>[vector<16xi32>, vector<16xi32>, vector<16xi32>], vector<16xf32>,
      %add3A_360 = arith.constant 32 : i32
      %add3A_361 = vector.broadcast %add3A_360 : i32 to vector<16xi32>
      %add3A_362 = arith.addi %broadcast_in_dim3A_358, %add3A_361 : vector<16xi32>
      %gather3A_363 = tpu.vector_load_idx %arg12[%add3A_328, %and3A_325, %add3A_362] : memref<32x8x128xf32, #tpu.memory_space<vmem>>[vector<16xi32>, vector<16xi32>, vector<16xi32>], vector<16xf32>,
      tpu.vector_store_idx %arg13[%add3A_328, %broadcast_in_dim3A_358], %gather3A_359 : memref<32x32xf32, #tpu.memory_space<vmem>>[vector<16xi32>, vector<16xi32>], vector<16xf32>,
      tpu.vector_store_idx %arg14[%add3A_328, %broadcast_in_dim3A_358], %gather3A_363 : memref<32x32xf32, #tpu.memory_space<vmem>>[vector<16xi32>, vector<16xi32>], vector<16xf32>,
      %broadcast_in_dim3A_364 = arith.constant 5 : i32
      %broadcast_in_dim3A_365 = vector.broadcast %broadcast_in_dim3A_364 : i32 to vector<16xi32>
      %gather3A_366 = tpu.vector_load_idx %arg11[%add3A_328, %and3A_322, %broadcast_in_dim3A_365] : memref<32x8x128xf32, #tpu.memory_space<vmem>>[vector<16xi32>, vector<16xi32>, vector<16xi32>], vector<16xf32>,
      %add3A_367 = arith.constant 32 : i32
      %add3A_368 = vector.broadcast %add3A_367 : i32 to vector<16xi32>
      %add3A_369 = arith.addi %broadcast_in_dim3A_365, %add3A_368 : vector<16xi32>
      %gather3A_370 = tpu.vector_load_idx %arg12[%add3A_328, %and3A_325, %add3A_369] : memref<32x8x128xf32, #tpu.memory_space<vmem>>[vector<16xi32>, vector<16xi32>, vector<16xi32>], vector<16xf32>,
      tpu.vector_store_idx %arg13[%add3A_328, %broadcast_in_dim3A_365], %gather3A_366 : memref<32x32xf32, #tpu.memory_space<vmem>>[vector<16xi32>, vector<16xi32>], vector<16xf32>,
      tpu.vector_store_idx %arg14[%add3A_328, %broadcast_in_dim3A_365], %gather3A_370 : memref<32x32xf32, #tpu.memory_space<vmem>>[vector<16xi32>, vector<16xi32>], vector<16xf32>,
      %broadcast_in_dim3A_371 = arith.constant 6 : i32
      %broadcast_in_dim3A_372 = vector.broadcast %broadcast_in_dim3A_371 : i32 to vector<16xi32>
      %gather3A_373 = tpu.vector_load_idx %arg11[%add3A_328, %and3A_322, %broadcast_in_dim3A_372] : memref<32x8x128xf32, #tpu.memory_space<vmem>>[vector<16xi32>, vector<16xi32>, vector<16xi32>], vector<16xf32>,
      %add3A_374 = arith.constant 32 : i32
      %add3A_375 = vector.broadcast %add3A_374 : i32 to vector<16xi32>
      %add3A_376 = arith.addi %broadcast_in_dim3A_372, %add3A_375 : vector<16xi32>
      %gather3A_377 = tpu.vector_load_idx %arg12[%add3A_328, %and3A_325, %add3A_376] : memref<32x8x128xf32, #tpu.memory_space<vmem>>[vector<16xi32>, vector<16xi32>, vector<16xi32>], vector<16xf32>,
      tpu.vector_store_idx %arg13[%add3A_328, %broadcast_in_dim3A_372], %gather3A_373 : memref<32x32xf32, #tpu.memory_space<vmem>>[vector<16xi32>, vector<16xi32>], vector<16xf32>,
      tpu.vector_store_idx %arg14[%add3A_328, %broadcast_in_dim3A_372], %gather3A_377 : memref<32x32xf32, #tpu.memory_space<vmem>>[vector<16xi32>, vector<16xi32>], vector<16xf32>,
      %broadcast_in_dim3A_378 = arith.constant 7 : i32
      %broadcast_in_dim3A_379 = vector.broadcast %broadcast_in_dim3A_378 : i32 to vector<16xi32>
      %gather3A_380 = tpu.vector_load_idx %arg11[%add3A_328, %and3A_322, %broadcast_in_dim3A_379] : memref<32x8x128xf32, #tpu.memory_space<vmem>>[vector<16xi32>, vector<16xi32>, vector<16xi32>], vector<16xf32>,
      %add3A_381 = arith.constant 32 : i32
      %add3A_382 = vector.broadcast %add3A_381 : i32 to vector<16xi32>
      %add3A_383 = arith.addi %broadcast_in_dim3A_379, %add3A_382 : vector<16xi32>
      %gather3A_384 = tpu.vector_load_idx %arg12[%add3A_328, %and3A_325, %add3A_383] : memref<32x8x128xf32, #tpu.memory_space<vmem>>[vector<16xi32>, vector<16xi32>, vector<16xi32>], vector<16xf32>,
      tpu.vector_store_idx %arg13[%add3A_328, %broadcast_in_dim3A_379], %gather3A_380 : memref<32x32xf32, #tpu.memory_space<vmem>>[vector<16xi32>, vector<16xi32>], vector<16xf32>,
      tpu.vector_store_idx %arg14[%add3A_328, %broadcast_in_dim3A_379], %gather3A_384 : memref<32x32xf32, #tpu.memory_space<vmem>>[vector<16xi32>, vector<16xi32>], vector<16xf32>,
      %broadcast_in_dim3A_385 = arith.constant 8 : i32
      %broadcast_in_dim3A_386 = vector.broadcast %broadcast_in_dim3A_385 : i32 to vector<16xi32>
      %gather3A_387 = tpu.vector_load_idx %arg11[%add3A_328, %and3A_322, %broadcast_in_dim3A_386] : memref<32x8x128xf32, #tpu.memory_space<vmem>>[vector<16xi32>, vector<16xi32>, vector<16xi32>], vector<16xf32>,
      %add3A_388 = arith.constant 32 : i32
      %add3A_389 = vector.broadcast %add3A_388 : i32 to vector<16xi32>
      %add3A_390 = arith.addi %broadcast_in_dim3A_386, %add3A_389 : vector<16xi32>
      %gather3A_391 = tpu.vector_load_idx %arg12[%add3A_328, %and3A_325, %add3A_390] : memref<32x8x128xf32, #tpu.memory_space<vmem>>[vector<16xi32>, vector<16xi32>, vector<16xi32>], vector<16xf32>,
      tpu.vector_store_idx %arg13[%add3A_328, %broadcast_in_dim3A_386], %gather3A_387 : memref<32x32xf32, #tpu.memory_space<vmem>>[vector<16xi32>, vector<16xi32>], vector<16xf32>,
      tpu.vector_store_idx %arg14[%add3A_328, %broadcast_in_dim3A_386], %gather3A_391 : memref<32x32xf32, #tpu.memory_space<vmem>>[vector<16xi32>, vector<16xi32>], vector<16xf32>,
      %broadcast_in_dim3A_392 = arith.constant 9 : i32
      %broadcast_in_dim3A_393 = vector.broadcast %broadcast_in_dim3A_392 : i32 to vector<16xi32>
      %gather3A_394 = tpu.vector_load_idx %arg11[%add3A_328, %and3A_322, %broadcast_in_dim3A_393] : memref<32x8x128xf32, #tpu.memory_space<vmem>>[vector<16xi32>, vector<16xi32>, vector<16xi32>], vector<16xf32>,
      %add3A_395 = arith.constant 32 : i32
      %add3A_396 = vector.broadcast %add3A_395 : i32 to vector<16xi32>
      %add3A_397 = arith.addi %broadcast_in_dim3A_393, %add3A_396 : vector<16xi32>
      %gather3A_398 = tpu.vector_load_idx %arg12[%add3A_328, %and3A_325, %add3A_397] : memref<32x8x128xf32, #tpu.memory_space<vmem>>[vector<16xi32>, vector<16xi32>, vector<16xi32>], vector<16xf32>,
      tpu.vector_store_idx %arg13[%add3A_328, %broadcast_in_dim3A_393], %gather3A_394 : memref<32x32xf32, #tpu.memory_space<vmem>>[vector<16xi32>, vector<16xi32>], vector<16xf32>,
      tpu.vector_store_idx %arg14[%add3A_328, %broadcast_in_dim3A_393], %gather3A_398 : memref<32x32xf32, #tpu.memory_space<vmem>>[vector<16xi32>, vector<16xi32>], vector<16xf32>,
      %broadcast_in_dim3A_399 = arith.constant 10 : i32
      %broadcast_in_dim3A_400 = vector.broadcast %broadcast_in_dim3A_399 : i32 to vector<16xi32>
      %gather3A_401 = tpu.vector_load_idx %arg11[%add3A_328, %and3A_322, %broadcast_in_dim3A_400] : memref<32x8x128xf32, #tpu.memory_space<vmem>>[vector<16xi32>, vector<16xi32>, vector<16xi32>], vector<16xf32>,
      %add3A_402 = arith.constant 32 : i32
      %add3A_403 = vector.broadcast %add3A_402 : i32 to vector<16xi32>
      %add3A_404 = arith.addi %broadcast_in_dim3A_400, %add3A_403 : vector<16xi32>
      %gather3A_405 = tpu.vector_load_idx %arg12[%add3A_328, %and3A_325, %add3A_404] : memref<32x8x128xf32, #tpu.memory_space<vmem>>[vector<16xi32>, vector<16xi32>, vector<16xi32>], vector<16xf32>,
      tpu.vector_store_idx %arg13[%add3A_328, %broadcast_in_dim3A_400], %gather3A_401 : memref<32x32xf32, #tpu.memory_space<vmem>>[vector<16xi32>, vector<16xi32>], vector<16xf32>,
      tpu.vector_store_idx %arg14[%add3A_328, %broadcast_in_dim3A_400], %gather3A_405 : memref<32x32xf32, #tpu.memory_space<vmem>>[vector<16xi32>, vector<16xi32>], vector<16xf32>,
      %broadcast_in_dim3A_406 = arith.constant 11 : i32
      %broadcast_in_dim3A_407 = vector.broadcast %broadcast_in_dim3A_406 : i32 to vector<16xi32>
      %gather3A_408 = tpu.vector_load_idx %arg11[%add3A_328, %and3A_322, %broadcast_in_dim3A_407] : memref<32x8x128xf32, #tpu.memory_space<vmem>>[vector<16xi32>, vector<16xi32>, vector<16xi32>], vector<16xf32>,
      %add3A_409 = arith.constant 32 : i32
      %add3A_410 = vector.broadcast %add3A_409 : i32 to vector<16xi32>
      %add3A_411 = arith.addi %broadcast_in_dim3A_407, %add3A_410 : vector<16xi32>
      %gather3A_412 = tpu.vector_load_idx %arg12[%add3A_328, %and3A_325, %add3A_411] : memref<32x8x128xf32, #tpu.memory_space<vmem>>[vector<16xi32>, vector<16xi32>, vector<16xi32>], vector<16xf32>,
      tpu.vector_store_idx %arg13[%add3A_328, %broadcast_in_dim3A_407], %gather3A_408 : memref<32x32xf32, #tpu.memory_space<vmem>>[vector<16xi32>, vector<16xi32>], vector<16xf32>,
      tpu.vector_store_idx %arg14[%add3A_328, %broadcast_in_dim3A_407], %gather3A_412 : memref<32x32xf32, #tpu.memory_space<vmem>>[vector<16xi32>, vector<16xi32>], vector<16xf32>,
      %broadcast_in_dim3A_413 = arith.constant 12 : i32
      %broadcast_in_dim3A_414 = vector.broadcast %broadcast_in_dim3A_413 : i32 to vector<16xi32>
      %gather3A_415 = tpu.vector_load_idx %arg11[%add3A_328, %and3A_322, %broadcast_in_dim3A_414] : memref<32x8x128xf32, #tpu.memory_space<vmem>>[vector<16xi32>, vector<16xi32>, vector<16xi32>], vector<16xf32>,
      %add3A_416 = arith.constant 32 : i32
      %add3A_417 = vector.broadcast %add3A_416 : i32 to vector<16xi32>
      %add3A_418 = arith.addi %broadcast_in_dim3A_414, %add3A_417 : vector<16xi32>
      %gather3A_419 = tpu.vector_load_idx %arg12[%add3A_328, %and3A_325, %add3A_418] : memref<32x8x128xf32, #tpu.memory_space<vmem>>[vector<16xi32>, vector<16xi32>, vector<16xi32>], vector<16xf32>,
      tpu.vector_store_idx %arg13[%add3A_328, %broadcast_in_dim3A_414], %gather3A_415 : memref<32x32xf32, #tpu.memory_space<vmem>>[vector<16xi32>, vector<16xi32>], vector<16xf32>,
      tpu.vector_store_idx %arg14[%add3A_328, %broadcast_in_dim3A_414], %gather3A_419 : memref<32x32xf32, #tpu.memory_space<vmem>>[vector<16xi32>, vector<16xi32>], vector<16xf32>,
      %broadcast_in_dim3A_420 = arith.constant 13 : i32
      %broadcast_in_dim3A_421 = vector.broadcast %broadcast_in_dim3A_420 : i32 to vector<16xi32>
      %gather3A_422 = tpu.vector_load_idx %arg11[%add3A_328, %and3A_322, %broadcast_in_dim3A_421] : memref<32x8x128xf32, #tpu.memory_space<vmem>>[vector<16xi32>, vector<16xi32>, vector<16xi32>], vector<16xf32>,
      %add3A_423 = arith.constant 32 : i32
      %add3A_424 = vector.broadcast %add3A_423 : i32 to vector<16xi32>
      %add3A_425 = arith.addi %broadcast_in_dim3A_421, %add3A_424 : vector<16xi32>
      %gather3A_426 = tpu.vector_load_idx %arg12[%add3A_328, %and3A_325, %add3A_425] : memref<32x8x128xf32, #tpu.memory_space<vmem>>[vector<16xi32>, vector<16xi32>, vector<16xi32>], vector<16xf32>,
      tpu.vector_store_idx %arg13[%add3A_328, %broadcast_in_dim3A_421], %gather3A_422 : memref<32x32xf32, #tpu.memory_space<vmem>>[vector<16xi32>, vector<16xi32>], vector<16xf32>,
      tpu.vector_store_idx %arg14[%add3A_328, %broadcast_in_dim3A_421], %gather3A_426 : memref<32x32xf32, #tpu.memory_space<vmem>>[vector<16xi32>, vector<16xi32>], vector<16xf32>,
      %broadcast_in_dim3A_427 = arith.constant 14 : i32
      %broadcast_in_dim3A_428 = vector.broadcast %broadcast_in_dim3A_427 : i32 to vector<16xi32>
      %gather3A_429 = tpu.vector_load_idx %arg11[%add3A_328, %and3A_322, %broadcast_in_dim3A_428] : memref<32x8x128xf32, #tpu.memory_space<vmem>>[vector<16xi32>, vector<16xi32>, vector<16xi32>], vector<16xf32>,
      %add3A_430 = arith.constant 32 : i32
      %add3A_431 = vector.broadcast %add3A_430 : i32 to vector<16xi32>
      %add3A_432 = arith.addi %broadcast_in_dim3A_428, %add3A_431 : vector<16xi32>
      %gather3A_433 = tpu.vector_load_idx %arg12[%add3A_328, %and3A_325, %add3A_432] : memref<32x8x128xf32, #tpu.memory_space<vmem>>[vector<16xi32>, vector<16xi32>, vector<16xi32>], vector<16xf32>,
      tpu.vector_store_idx %arg13[%add3A_328, %broadcast_in_dim3A_428], %gather3A_429 : memref<32x32xf32, #tpu.memory_space<vmem>>[vector<16xi32>, vector<16xi32>], vector<16xf32>,
      tpu.vector_store_idx %arg14[%add3A_328, %broadcast_in_dim3A_428], %gather3A_433 : memref<32x32xf32, #tpu.memory_space<vmem>>[vector<16xi32>, vector<16xi32>], vector<16xf32>,
      %broadcast_in_dim3A_434 = arith.constant 15 : i32
      %broadcast_in_dim3A_435 = vector.broadcast %broadcast_in_dim3A_434 : i32 to vector<16xi32>
      %gather3A_436 = tpu.vector_load_idx %arg11[%add3A_328, %and3A_322, %broadcast_in_dim3A_435] : memref<32x8x128xf32, #tpu.memory_space<vmem>>[vector<16xi32>, vector<16xi32>, vector<16xi32>], vector<16xf32>,
      %add3A_437 = arith.constant 32 : i32
      %add3A_438 = vector.broadcast %add3A_437 : i32 to vector<16xi32>
      %add3A_439 = arith.addi %broadcast_in_dim3A_435, %add3A_438 : vector<16xi32>
      %gather3A_440 = tpu.vector_load_idx %arg12[%add3A_328, %and3A_325, %add3A_439] : memref<32x8x128xf32, #tpu.memory_space<vmem>>[vector<16xi32>, vector<16xi32>, vector<16xi32>], vector<16xf32>,
      tpu.vector_store_idx %arg13[%add3A_328, %broadcast_in_dim3A_435], %gather3A_436 : memref<32x32xf32, #tpu.memory_space<vmem>>[vector<16xi32>, vector<16xi32>], vector<16xf32>,
      tpu.vector_store_idx %arg14[%add3A_328, %broadcast_in_dim3A_435], %gather3A_440 : memref<32x32xf32, #tpu.memory_space<vmem>>[vector<16xi32>, vector<16xi32>], vector<16xf32>,
      %broadcast_in_dim3A_441 = arith.constant 16 : i32
      %broadcast_in_dim3A_442 = vector.broadcast %broadcast_in_dim3A_441 : i32 to vector<16xi32>
      %gather3A_443 = tpu.vector_load_idx %arg11[%add3A_328, %and3A_322, %broadcast_in_dim3A_442] : memref<32x8x128xf32, #tpu.memory_space<vmem>>[vector<16xi32>, vector<16xi32>, vector<16xi32>], vector<16xf32>,
      %add3A_444 = arith.constant 32 : i32
      %add3A_445 = vector.broadcast %add3A_444 : i32 to vector<16xi32>
      %add3A_446 = arith.addi %broadcast_in_dim3A_442, %add3A_445 : vector<16xi32>
      %gather3A_447 = tpu.vector_load_idx %arg12[%add3A_328, %and3A_325, %add3A_446] : memref<32x8x128xf32, #tpu.memory_space<vmem>>[vector<16xi32>, vector<16xi32>, vector<16xi32>], vector<16xf32>,
      tpu.vector_store_idx %arg13[%add3A_328, %broadcast_in_dim3A_442], %gather3A_443 : memref<32x32xf32, #tpu.memory_space<vmem>>[vector<16xi32>, vector<16xi32>], vector<16xf32>,
      tpu.vector_store_idx %arg14[%add3A_328, %broadcast_in_dim3A_442], %gather3A_447 : memref<32x32xf32, #tpu.memory_space<vmem>>[vector<16xi32>, vector<16xi32>], vector<16xf32>,
      %broadcast_in_dim3A_448 = arith.constant 17 : i32
      %broadcast_in_dim3A_449 = vector.broadcast %broadcast_in_dim3A_448 : i32 to vector<16xi32>
      %gather3A_450 = tpu.vector_load_idx %arg11[%add3A_328, %and3A_322, %broadcast_in_dim3A_449] : memref<32x8x128xf32, #tpu.memory_space<vmem>>[vector<16xi32>, vector<16xi32>, vector<16xi32>], vector<16xf32>,
      %add3A_451 = arith.constant 32 : i32
      %add3A_452 = vector.broadcast %add3A_451 : i32 to vector<16xi32>
      %add3A_453 = arith.addi %broadcast_in_dim3A_449, %add3A_452 : vector<16xi32>
      %gather3A_454 = tpu.vector_load_idx %arg12[%add3A_328, %and3A_325, %add3A_453] : memref<32x8x128xf32, #tpu.memory_space<vmem>>[vector<16xi32>, vector<16xi32>, vector<16xi32>], vector<16xf32>,
      tpu.vector_store_idx %arg13[%add3A_328, %broadcast_in_dim3A_449], %gather3A_450 : memref<32x32xf32, #tpu.memory_space<vmem>>[vector<16xi32>, vector<16xi32>], vector<16xf32>,
      tpu.vector_store_idx %arg14[%add3A_328, %broadcast_in_dim3A_449], %gather3A_454 : memref<32x32xf32, #tpu.memory_space<vmem>>[vector<16xi32>, vector<16xi32>], vector<16xf32>,
      %broadcast_in_dim3A_455 = arith.constant 18 : i32
      %broadcast_in_dim3A_456 = vector.broadcast %broadcast_in_dim3A_455 : i32 to vector<16xi32>
      %gather3A_457 = tpu.vector_load_idx %arg11[%add3A_328, %and3A_322, %broadcast_in_dim3A_456] : memref<32x8x128xf32, #tpu.memory_space<vmem>>[vector<16xi32>, vector<16xi32>, vector<16xi32>], vector<16xf32>,
      %add3A_458 = arith.constant 32 : i32
      %add3A_459 = vector.broadcast %add3A_458 : i32 to vector<16xi32>
      %add3A_460 = arith.addi %broadcast_in_dim3A_456, %add3A_459 : vector<16xi32>
      %gather3A_461 = tpu.vector_load_idx %arg12[%add3A_328, %and3A_325, %add3A_460] : memref<32x8x128xf32, #tpu.memory_space<vmem>>[vector<16xi32>, vector<16xi32>, vector<16xi32>], vector<16xf32>,
      tpu.vector_store_idx %arg13[%add3A_328, %broadcast_in_dim3A_456], %gather3A_457 : memref<32x32xf32, #tpu.memory_space<vmem>>[vector<16xi32>, vector<16xi32>], vector<16xf32>,
      tpu.vector_store_idx %arg14[%add3A_328, %broadcast_in_dim3A_456], %gather3A_461 : memref<32x32xf32, #tpu.memory_space<vmem>>[vector<16xi32>, vector<16xi32>], vector<16xf32>,
      %broadcast_in_dim3A_462 = arith.constant 19 : i32
      %broadcast_in_dim3A_463 = vector.broadcast %broadcast_in_dim3A_462 : i32 to vector<16xi32>
      %gather3A_464 = tpu.vector_load_idx %arg11[%add3A_328, %and3A_322, %broadcast_in_dim3A_463] : memref<32x8x128xf32, #tpu.memory_space<vmem>>[vector<16xi32>, vector<16xi32>, vector<16xi32>], vector<16xf32>,
      %add3A_465 = arith.constant 32 : i32
      %add3A_466 = vector.broadcast %add3A_465 : i32 to vector<16xi32>
      %add3A_467 = arith.addi %broadcast_in_dim3A_463, %add3A_466 : vector<16xi32>
      %gather3A_468 = tpu.vector_load_idx %arg12[%add3A_328, %and3A_325, %add3A_467] : memref<32x8x128xf32, #tpu.memory_space<vmem>>[vector<16xi32>, vector<16xi32>, vector<16xi32>], vector<16xf32>,
      tpu.vector_store_idx %arg13[%add3A_328, %broadcast_in_dim3A_463], %gather3A_464 : memref<32x32xf32, #tpu.memory_space<vmem>>[vector<16xi32>, vector<16xi32>], vector<16xf32>,
      tpu.vector_store_idx %arg14[%add3A_328, %broadcast_in_dim3A_463], %gather3A_468 : memref<32x32xf32, #tpu.memory_space<vmem>>[vector<16xi32>, vector<16xi32>], vector<16xf32>,
      %broadcast_in_dim3A_469 = arith.constant 20 : i32
      %broadcast_in_dim3A_470 = vector.broadcast %broadcast_in_dim3A_469 : i32 to vector<16xi32>
      %gather3A_471 = tpu.vector_load_idx %arg11[%add3A_328, %and3A_322, %broadcast_in_dim3A_470] : memref<32x8x128xf32, #tpu.memory_space<vmem>>[vector<16xi32>, vector<16xi32>, vector<16xi32>], vector<16xf32>,
      %add3A_472 = arith.constant 32 : i32
      %add3A_473 = vector.broadcast %add3A_472 : i32 to vector<16xi32>
      %add3A_474 = arith.addi %broadcast_in_dim3A_470, %add3A_473 : vector<16xi32>
      %gather3A_475 = tpu.vector_load_idx %arg12[%add3A_328, %and3A_325, %add3A_474] : memref<32x8x128xf32, #tpu.memory_space<vmem>>[vector<16xi32>, vector<16xi32>, vector<16xi32>], vector<16xf32>,
      tpu.vector_store_idx %arg13[%add3A_328, %broadcast_in_dim3A_470], %gather3A_471 : memref<32x32xf32, #tpu.memory_space<vmem>>[vector<16xi32>, vector<16xi32>], vector<16xf32>,
      tpu.vector_store_idx %arg14[%add3A_328, %broadcast_in_dim3A_470], %gather3A_475 : memref<32x32xf32, #tpu.memory_space<vmem>>[vector<16xi32>, vector<16xi32>], vector<16xf32>,
      %broadcast_in_dim3A_476 = arith.constant 21 : i32
      %broadcast_in_dim3A_477 = vector.broadcast %broadcast_in_dim3A_476 : i32 to vector<16xi32>
      %gather3A_478 = tpu.vector_load_idx %arg11[%add3A_328, %and3A_322, %broadcast_in_dim3A_477] : memref<32x8x128xf32, #tpu.memory_space<vmem>>[vector<16xi32>, vector<16xi32>, vector<16xi32>], vector<16xf32>,
      %add3A_479 = arith.constant 32 : i32
      %add3A_480 = vector.broadcast %add3A_479 : i32 to vector<16xi32>
      %add3A_481 = arith.addi %broadcast_in_dim3A_477, %add3A_480 : vector<16xi32>
      %gather3A_482 = tpu.vector_load_idx %arg12[%add3A_328, %and3A_325, %add3A_481] : memref<32x8x128xf32, #tpu.memory_space<vmem>>[vector<16xi32>, vector<16xi32>, vector<16xi32>], vector<16xf32>,
      tpu.vector_store_idx %arg13[%add3A_328, %broadcast_in_dim3A_477], %gather3A_478 : memref<32x32xf32, #tpu.memory_space<vmem>>[vector<16xi32>, vector<16xi32>], vector<16xf32>,
      tpu.vector_store_idx %arg14[%add3A_328, %broadcast_in_dim3A_477], %gather3A_482 : memref<32x32xf32, #tpu.memory_space<vmem>>[vector<16xi32>, vector<16xi32>], vector<16xf32>,
      %broadcast_in_dim3A_483 = arith.constant 22 : i32
      %broadcast_in_dim3A_484 = vector.broadcast %broadcast_in_dim3A_483 : i32 to vector<16xi32>
      %gather3A_485 = tpu.vector_load_idx %arg11[%add3A_328, %and3A_322, %broadcast_in_dim3A_484] : memref<32x8x128xf32, #tpu.memory_space<vmem>>[vector<16xi32>, vector<16xi32>, vector<16xi32>], vector<16xf32>,
      %add3A_486 = arith.constant 32 : i32
      %add3A_487 = vector.broadcast %add3A_486 : i32 to vector<16xi32>
      %add3A_488 = arith.addi %broadcast_in_dim3A_484, %add3A_487 : vector<16xi32>
      %gather3A_489 = tpu.vector_load_idx %arg12[%add3A_328, %and3A_325, %add3A_488] : memref<32x8x128xf32, #tpu.memory_space<vmem>>[vector<16xi32>, vector<16xi32>, vector<16xi32>], vector<16xf32>,
      tpu.vector_store_idx %arg13[%add3A_328, %broadcast_in_dim3A_484], %gather3A_485 : memref<32x32xf32, #tpu.memory_space<vmem>>[vector<16xi32>, vector<16xi32>], vector<16xf32>,
      tpu.vector_store_idx %arg14[%add3A_328, %broadcast_in_dim3A_484], %gather3A_489 : memref<32x32xf32, #tpu.memory_space<vmem>>[vector<16xi32>, vector<16xi32>], vector<16xf32>,
      %broadcast_in_dim3A_490 = arith.constant 23 : i32
      %broadcast_in_dim3A_491 = vector.broadcast %broadcast_in_dim3A_490 : i32 to vector<16xi32>
      %gather3A_492 = tpu.vector_load_idx %arg11[%add3A_328, %and3A_322, %broadcast_in_dim3A_491] : memref<32x8x128xf32, #tpu.memory_space<vmem>>[vector<16xi32>, vector<16xi32>, vector<16xi32>], vector<16xf32>,
      %add3A_493 = arith.constant 32 : i32
      %add3A_494 = vector.broadcast %add3A_493 : i32 to vector<16xi32>
      %add3A_495 = arith.addi %broadcast_in_dim3A_491, %add3A_494 : vector<16xi32>
      %gather3A_496 = tpu.vector_load_idx %arg12[%add3A_328, %and3A_325, %add3A_495] : memref<32x8x128xf32, #tpu.memory_space<vmem>>[vector<16xi32>, vector<16xi32>, vector<16xi32>], vector<16xf32>,
      tpu.vector_store_idx %arg13[%add3A_328, %broadcast_in_dim3A_491], %gather3A_492 : memref<32x32xf32, #tpu.memory_space<vmem>>[vector<16xi32>, vector<16xi32>], vector<16xf32>,
      tpu.vector_store_idx %arg14[%add3A_328, %broadcast_in_dim3A_491], %gather3A_496 : memref<32x32xf32, #tpu.memory_space<vmem>>[vector<16xi32>, vector<16xi32>], vector<16xf32>,
      %broadcast_in_dim3A_497 = arith.constant 24 : i32
      %broadcast_in_dim3A_498 = vector.broadcast %broadcast_in_dim3A_497 : i32 to vector<16xi32>
      %gather3A_499 = tpu.vector_load_idx %arg11[%add3A_328, %and3A_322, %broadcast_in_dim3A_498] : memref<32x8x128xf32, #tpu.memory_space<vmem>>[vector<16xi32>, vector<16xi32>, vector<16xi32>], vector<16xf32>,
      %add3A_500 = arith.constant 32 : i32
      %add3A_501 = vector.broadcast %add3A_500 : i32 to vector<16xi32>
      %add3A_502 = arith.addi %broadcast_in_dim3A_498, %add3A_501 : vector<16xi32>
      %gather3A_503 = tpu.vector_load_idx %arg12[%add3A_328, %and3A_325, %add3A_502] : memref<32x8x128xf32, #tpu.memory_space<vmem>>[vector<16xi32>, vector<16xi32>, vector<16xi32>], vector<16xf32>,
      tpu.vector_store_idx %arg13[%add3A_328, %broadcast_in_dim3A_498], %gather3A_499 : memref<32x32xf32, #tpu.memory_space<vmem>>[vector<16xi32>, vector<16xi32>], vector<16xf32>,
      tpu.vector_store_idx %arg14[%add3A_328, %broadcast_in_dim3A_498], %gather3A_503 : memref<32x32xf32, #tpu.memory_space<vmem>>[vector<16xi32>, vector<16xi32>], vector<16xf32>,
      %broadcast_in_dim3A_504 = arith.constant 25 : i32
      %broadcast_in_dim3A_505 = vector.broadcast %broadcast_in_dim3A_504 : i32 to vector<16xi32>
      %gather3A_506 = tpu.vector_load_idx %arg11[%add3A_328, %and3A_322, %broadcast_in_dim3A_505] : memref<32x8x128xf32, #tpu.memory_space<vmem>>[vector<16xi32>, vector<16xi32>, vector<16xi32>], vector<16xf32>,
      %add3A_507 = arith.constant 32 : i32
      %add3A_508 = vector.broadcast %add3A_507 : i32 to vector<16xi32>
      %add3A_509 = arith.addi %broadcast_in_dim3A_505, %add3A_508 : vector<16xi32>
      %gather3A_510 = tpu.vector_load_idx %arg12[%add3A_328, %and3A_325, %add3A_509] : memref<32x8x128xf32, #tpu.memory_space<vmem>>[vector<16xi32>, vector<16xi32>, vector<16xi32>], vector<16xf32>,
      tpu.vector_store_idx %arg13[%add3A_328, %broadcast_in_dim3A_505], %gather3A_506 : memref<32x32xf32, #tpu.memory_space<vmem>>[vector<16xi32>, vector<16xi32>], vector<16xf32>,
      tpu.vector_store_idx %arg14[%add3A_328, %broadcast_in_dim3A_505], %gather3A_510 : memref<32x32xf32, #tpu.memory_space<vmem>>[vector<16xi32>, vector<16xi32>], vector<16xf32>,
      %broadcast_in_dim3A_511 = arith.constant 26 : i32
      %broadcast_in_dim3A_512 = vector.broadcast %broadcast_in_dim3A_511 : i32 to vector<16xi32>
      %gather3A_513 = tpu.vector_load_idx %arg11[%add3A_328, %and3A_322, %broadcast_in_dim3A_512] : memref<32x8x128xf32, #tpu.memory_space<vmem>>[vector<16xi32>, vector<16xi32>, vector<16xi32>], vector<16xf32>,
      %add3A_514 = arith.constant 32 : i32
      %add3A_515 = vector.broadcast %add3A_514 : i32 to vector<16xi32>
      %add3A_516 = arith.addi %broadcast_in_dim3A_512, %add3A_515 : vector<16xi32>
      %gather3A_517 = tpu.vector_load_idx %arg12[%add3A_328, %and3A_325, %add3A_516] : memref<32x8x128xf32, #tpu.memory_space<vmem>>[vector<16xi32>, vector<16xi32>, vector<16xi32>], vector<16xf32>,
      tpu.vector_store_idx %arg13[%add3A_328, %broadcast_in_dim3A_512], %gather3A_513 : memref<32x32xf32, #tpu.memory_space<vmem>>[vector<16xi32>, vector<16xi32>], vector<16xf32>,
      tpu.vector_store_idx %arg14[%add3A_328, %broadcast_in_dim3A_512], %gather3A_517 : memref<32x32xf32, #tpu.memory_space<vmem>>[vector<16xi32>, vector<16xi32>], vector<16xf32>,
      %broadcast_in_dim3A_518 = arith.constant 27 : i32
      %broadcast_in_dim3A_519 = vector.broadcast %broadcast_in_dim3A_518 : i32 to vector<16xi32>
      %gather3A_520 = tpu.vector_load_idx %arg11[%add3A_328, %and3A_322, %broadcast_in_dim3A_519] : memref<32x8x128xf32, #tpu.memory_space<vmem>>[vector<16xi32>, vector<16xi32>, vector<16xi32>], vector<16xf32>,
      %add3A_521 = arith.constant 32 : i32
      %add3A_522 = vector.broadcast %add3A_521 : i32 to vector<16xi32>
      %add3A_523 = arith.addi %broadcast_in_dim3A_519, %add3A_522 : vector<16xi32>
      %gather3A_524 = tpu.vector_load_idx %arg12[%add3A_328, %and3A_325, %add3A_523] : memref<32x8x128xf32, #tpu.memory_space<vmem>>[vector<16xi32>, vector<16xi32>, vector<16xi32>], vector<16xf32>,
      tpu.vector_store_idx %arg13[%add3A_328, %broadcast_in_dim3A_519], %gather3A_520 : memref<32x32xf32, #tpu.memory_space<vmem>>[vector<16xi32>, vector<16xi32>], vector<16xf32>,
      tpu.vector_store_idx %arg14[%add3A_328, %broadcast_in_dim3A_519], %gather3A_524 : memref<32x32xf32, #tpu.memory_space<vmem>>[vector<16xi32>, vector<16xi32>], vector<16xf32>,
      %broadcast_in_dim3A_525 = arith.constant 28 : i32
      %broadcast_in_dim3A_526 = vector.broadcast %broadcast_in_dim3A_525 : i32 to vector<16xi32>
      %gather3A_527 = tpu.vector_load_idx %arg11[%add3A_328, %and3A_322, %broadcast_in_dim3A_526] : memref<32x8x128xf32, #tpu.memory_space<vmem>>[vector<16xi32>, vector<16xi32>, vector<16xi32>], vector<16xf32>,
      %add3A_528 = arith.constant 32 : i32
      %add3A_529 = vector.broadcast %add3A_528 : i32 to vector<16xi32>
      %add3A_530 = arith.addi %broadcast_in_dim3A_526, %add3A_529 : vector<16xi32>
      %gather3A_531 = tpu.vector_load_idx %arg12[%add3A_328, %and3A_325, %add3A_530] : memref<32x8x128xf32, #tpu.memory_space<vmem>>[vector<16xi32>, vector<16xi32>, vector<16xi32>], vector<16xf32>,
      tpu.vector_store_idx %arg13[%add3A_328, %broadcast_in_dim3A_526], %gather3A_527 : memref<32x32xf32, #tpu.memory_space<vmem>>[vector<16xi32>, vector<16xi32>], vector<16xf32>,
      tpu.vector_store_idx %arg14[%add3A_328, %broadcast_in_dim3A_526], %gather3A_531 : memref<32x32xf32, #tpu.memory_space<vmem>>[vector<16xi32>, vector<16xi32>], vector<16xf32>,
      %broadcast_in_dim3A_532 = arith.constant 29 : i32
      %broadcast_in_dim3A_533 = vector.broadcast %broadcast_in_dim3A_532 : i32 to vector<16xi32>
      %gather3A_534 = tpu.vector_load_idx %arg11[%add3A_328, %and3A_322, %broadcast_in_dim3A_533] : memref<32x8x128xf32, #tpu.memory_space<vmem>>[vector<16xi32>, vector<16xi32>, vector<16xi32>], vector<16xf32>,
      %add3A_535 = arith.constant 32 : i32
      %add3A_536 = vector.broadcast %add3A_535 : i32 to vector<16xi32>
      %add3A_537 = arith.addi %broadcast_in_dim3A_533, %add3A_536 : vector<16xi32>
      %gather3A_538 = tpu.vector_load_idx %arg12[%add3A_328, %and3A_325, %add3A_537] : memref<32x8x128xf32, #tpu.memory_space<vmem>>[vector<16xi32>, vector<16xi32>, vector<16xi32>], vector<16xf32>,
      tpu.vector_store_idx %arg13[%add3A_328, %broadcast_in_dim3A_533], %gather3A_534 : memref<32x32xf32, #tpu.memory_space<vmem>>[vector<16xi32>, vector<16xi32>], vector<16xf32>,
      tpu.vector_store_idx %arg14[%add3A_328, %broadcast_in_dim3A_533], %gather3A_538 : memref<32x32xf32, #tpu.memory_space<vmem>>[vector<16xi32>, vector<16xi32>], vector<16xf32>,
      %broadcast_in_dim3A_539 = arith.constant 30 : i32
      %broadcast_in_dim3A_540 = vector.broadcast %broadcast_in_dim3A_539 : i32 to vector<16xi32>
      %gather3A_541 = tpu.vector_load_idx %arg11[%add3A_328, %and3A_322, %broadcast_in_dim3A_540] : memref<32x8x128xf32, #tpu.memory_space<vmem>>[vector<16xi32>, vector<16xi32>, vector<16xi32>], vector<16xf32>,
      %add3A_542 = arith.constant 32 : i32
      %add3A_543 = vector.broadcast %add3A_542 : i32 to vector<16xi32>
      %add3A_544 = arith.addi %broadcast_in_dim3A_540, %add3A_543 : vector<16xi32>
      %gather3A_545 = tpu.vector_load_idx %arg12[%add3A_328, %and3A_325, %add3A_544] : memref<32x8x128xf32, #tpu.memory_space<vmem>>[vector<16xi32>, vector<16xi32>, vector<16xi32>], vector<16xf32>,
      tpu.vector_store_idx %arg13[%add3A_328, %broadcast_in_dim3A_540], %gather3A_541 : memref<32x32xf32, #tpu.memory_space<vmem>>[vector<16xi32>, vector<16xi32>], vector<16xf32>,
      tpu.vector_store_idx %arg14[%add3A_328, %broadcast_in_dim3A_540], %gather3A_545 : memref<32x32xf32, #tpu.memory_space<vmem>>[vector<16xi32>, vector<16xi32>], vector<16xf32>,
      %broadcast_in_dim3A_546 = arith.constant 31 : i32
      %broadcast_in_dim3A_547 = vector.broadcast %broadcast_in_dim3A_546 : i32 to vector<16xi32>
      %gather3A_548 = tpu.vector_load_idx %arg11[%add3A_328, %and3A_322, %broadcast_in_dim3A_547] : memref<32x8x128xf32, #tpu.memory_space<vmem>>[vector<16xi32>, vector<16xi32>, vector<16xi32>], vector<16xf32>,
      %add3A_549 = arith.constant 32 : i32
      %add3A_550 = vector.broadcast %add3A_549 : i32 to vector<16xi32>
      %add3A_551 = arith.addi %broadcast_in_dim3A_547, %add3A_550 : vector<16xi32>
      %gather3A_552 = tpu.vector_load_idx %arg12[%add3A_328, %and3A_325, %add3A_551] : memref<32x8x128xf32, #tpu.memory_space<vmem>>[vector<16xi32>, vector<16xi32>, vector<16xi32>], vector<16xf32>,
      tpu.vector_store_idx %arg13[%add3A_328, %broadcast_in_dim3A_547], %gather3A_548 : memref<32x32xf32, #tpu.memory_space<vmem>>[vector<16xi32>, vector<16xi32>], vector<16xf32>,
      tpu.vector_store_idx %arg14[%add3A_328, %broadcast_in_dim3A_547], %gather3A_552 : memref<32x32xf32, #tpu.memory_space<vmem>>[vector<16xi32>, vector<16xi32>], vector<16xf32>,
      %mul3A_553 = arith.constant 32 : i32
      %mul3A_554 = arith.muli %scan3A_9, %mul3A_553 : i32
      %add3A_555 = arith.addi %mul3A_2, %mul3A_554 : i32
      %multiple_of3A = tpu.assume_multiple %add3A_555, 32 : i32
      "tpu.region"() ({
        %run_scoped3A = tpu.sem_alloc : memref<!tpu.dma_semaphore, #tpu.memory_space<semaphore_mem>>
        %dma_start3A_557 = arith.constant 0 : i32
        %dma_start3A_558 = tpu.memref_slice %arg5[%multiple_of3A, %dma_start3A_557] : memref<16384x32xf32, #tpu.memory_space<hbm>> -> memref<32x32xf32, #tpu.memory_space<hbm>>
        %dma_start3A_559 = arith.constant 0 : i32
        %dma_start3A_560 = tpu.memref_slice %arg5[%multiple_of3A, %dma_start3A_559] : memref<16384x32xf32, #tpu.memory_space<hbm>> -> memref<32x32xf32, #tpu.memory_space<hbm>>
        tpu.enqueue_dma source(%arg13 : memref<32x32xf32, #tpu.memory_space<vmem>>) target(%dma_start3A_560 : memref<32x32xf32, #tpu.memory_space<hbm>>) target_semaphore(%run_scoped3A : memref<!tpu.dma_semaphore, #tpu.memory_space<semaphore_mem>>)
        %dma_wait3A_561 = arith.constant 0 : i32
        %dma_wait3A_562 = tpu.memref_slice %arg5[%multiple_of3A, %dma_wait3A_561] : memref<16384x32xf32, #tpu.memory_space<hbm>> -> memref<32x32xf32, #tpu.memory_space<hbm>>
        %dma_wait3A_563 = arith.constant 0 : i32
        %dma_wait3A_564 = tpu.memref_slice %arg5[%multiple_of3A, %dma_wait3A_563] : memref<16384x32xf32, #tpu.memory_space<hbm>> -> memref<32x32xf32, #tpu.memory_space<hbm>>
        tpu.wait_dma2 semaphore(%run_scoped3A : memref<!tpu.dma_semaphore, #tpu.memory_space<semaphore_mem>>) src(%arg13 : memref<32x32xf32, #tpu.memory_space<vmem>>) dst(%dma_wait3A_564 : memref<32x32xf32, #tpu.memory_space<hbm>>)
        tpu.yield
      }) : () -> ()
      "tpu.region"() ({
        %run_scoped3A = tpu.sem_alloc : memref<!tpu.dma_semaphore, #tpu.memory_space<semaphore_mem>>
        %dma_start3A_557 = arith.constant 0 : i32
        %dma_start3A_558 = tpu.memref_slice %arg6[%multiple_of3A, %dma_start3A_557] : memref<16384x32xf32, #tpu.memory_space<hbm>> -> memref<32x32xf32, #tpu.memory_space<hbm>>
        %dma_start3A_559 = arith.constant 0 : i32
        %dma_start3A_560 = tpu.memref_slice %arg6[%multiple_of3A, %dma_start3A_559] : memref<16384x32xf32, #tpu.memory_space<hbm>> -> memref<32x32xf32, #tpu.memory_space<hbm>>
        tpu.enqueue_dma source(%arg14 : memref<32x32xf32, #tpu.memory_space<vmem>>) target(%dma_start3A_560 : memref<32x32xf32, #tpu.memory_space<hbm>>) target_semaphore(%run_scoped3A : memref<!tpu.dma_semaphore, #tpu.memory_space<semaphore_mem>>)
        %dma_wait3A_561 = arith.constant 0 : i32
        %dma_wait3A_562 = tpu.memref_slice %arg6[%multiple_of3A, %dma_wait3A_561] : memref<16384x32xf32, #tpu.memory_space<hbm>> -> memref<32x32xf32, #tpu.memory_space<hbm>>
        %dma_wait3A_563 = arith.constant 0 : i32
        %dma_wait3A_564 = tpu.memref_slice %arg6[%multiple_of3A, %dma_wait3A_563] : memref<16384x32xf32, #tpu.memory_space<hbm>> -> memref<32x32xf32, #tpu.memory_space<hbm>>
        tpu.wait_dma2 semaphore(%run_scoped3A : memref<!tpu.dma_semaphore, #tpu.memory_space<semaphore_mem>>) src(%arg14 : memref<32x32xf32, #tpu.memory_space<vmem>>) dst(%dma_wait3A_564 : memref<32x32xf32, #tpu.memory_space<hbm>>)
        tpu.yield
      }) : () -> ()
      %scan3A_556 = arith.constant 0 : i32
      scf.yield %scan3A_556 : i32
    }
    %scan3A_8 = arith.constant 16 : i32
    return
  }
}

module attributes {stable_mosaic.version = 14 : i64} {
  func.func @_pack_body(%arg0: i32, %arg1: memref<32x16384xf32, #tpu.memory_space<vmem>>, %arg2: memref<32x16384xf32, #tpu.memory_space<vmem>>, %arg3: memref<2048x8x128xf32, #tpu.memory_space<vmem>>) attributes {dimension_semantics = [#tpu.dimension_semantics<arbitrary>], iteration_bounds = array<i64: 62>, scalar_prefetch = 0 : i64, scratch_operands = 0 : i64, tpu.core_type = #tpu.core_type<tc>, window_params = [{transform_indices = @transform_0, window_bounds = array<i64: 32, 16384>}, {transform_indices = @transform_1, window_bounds = array<i64: 32, 16384>}, {transform_indices = @transform_2, window_bounds = array<i64: 2048, 8, 128>}]} {
    %get3A = arith.constant 0 : index
    %get3A_0 = arith.constant 0 : index
    %get3A_1 = vector.load %arg1[%get3A, %get3A_0] : memref<32x16384xf32, #tpu.memory_space<vmem>>, vector<32x16384xf32>
    %transpose3A = tpu.transpose %get3A_1, [1, 0] : vector<32x16384xf32> -> vector<16384x32xf32>
    %reshape3A = vector.shape_cast %transpose3A : vector<16384x32xf32> to vector<2048x8x32xf32>
    %swap3A = arith.constant 0 : index
    %swap3A_2 = arith.constant 0 : index
    %swap3A_3 = arith.constant 0 : index
    %swap3A_4 = vector.load %arg3[%swap3A, %swap3A_2, %swap3A_3] : memref<2048x8x128xf32, #tpu.memory_space<vmem>>, vector<2048x8x32xf32>
    tpu.vector_store %arg3[%swap3A, %swap3A_2, %swap3A_3], %reshape3A {strides = array<i32>} : memref<2048x8x128xf32, #tpu.memory_space<vmem>>, vector<2048x8x32xf32>,
    %get3A_5 = arith.constant 0 : index
    %get3A_6 = arith.constant 0 : index
    %get3A_7 = vector.load %arg2[%get3A_5, %get3A_6] : memref<32x16384xf32, #tpu.memory_space<vmem>>, vector<32x16384xf32>
    %transpose3A_8 = tpu.transpose %get3A_7, [1, 0] : vector<32x16384xf32> -> vector<16384x32xf32>
    %reshape3A_9 = vector.shape_cast %transpose3A_8 : vector<16384x32xf32> to vector<2048x8x32xf32>
    %swap3A_10 = arith.constant 0 : index
    %swap3A_11 = arith.constant 0 : index
    %swap3A_12 = arith.constant 32 : index
    %swap3A_13 = vector.load %arg3[%swap3A_10, %swap3A_11, %swap3A_12] : memref<2048x8x128xf32, #tpu.memory_space<vmem>>, vector<2048x8x32xf32>
    tpu.vector_store %arg3[%swap3A_10, %swap3A_11, %swap3A_12], %reshape3A_9 {strides = array<i32>} : memref<2048x8x128xf32, #tpu.memory_space<vmem>>, vector<2048x8x32xf32>,
    return
  }
  func.func @transform_0(%arg0: i32) -> (i32, i32) {
    %c0_i32 = arith.constant 0 : i32
    %c0_i32_0 = arith.constant 0 : i32
    return %c0_i32, %arg0 : i32, i32
  }
  func.func @transform_1(%arg0: i32) -> (i32, i32) {
    %c0_i32 = arith.constant 0 : i32
    %c0_i32_0 = arith.constant 0 : i32
    return %c0_i32, %arg0 : i32, i32
  }
  func.func @transform_2(%arg0: i32) -> (i32, i32, i32) {
    %c0_i32 = arith.constant 0 : i32
    %c0_i32_0 = arith.constant 0 : i32
    %c0_i32_1 = arith.constant 0 : i32
    return %arg0, %c0_i32, %c0_i32_0 : i32, i32, i32
  }
}

module attributes {stable_mosaic.version = 14 : i64} {
  func.func @_mlp_body(%arg0: i32, %arg1: memref<2048x32xf32, #tpu.memory_space<vmem>>, %arg2: memref<2048x32xf32, #tpu.memory_space<vmem>>, %arg3: memref<32x64xf32, #tpu.memory_space<vmem>>, %arg4: memref<32x64xf32, #tpu.memory_space<vmem>>, %arg5: memref<1x64xf32, #tpu.memory_space<vmem>>, %arg6: memref<64x32xf32, #tpu.memory_space<vmem>>, %arg7: memref<1x32xf32, #tpu.memory_space<vmem>>, %arg8: memref<32x1xf32, #tpu.memory_space<vmem>>, %arg9: memref<1x1xf32, #tpu.memory_space<vmem>>, %arg10: memref<2048x1xf32, #tpu.memory_space<vmem>>) attributes {dimension_semantics = [#tpu.dimension_semantics<arbitrary>], iteration_bounds = array<i64: 8>, scalar_prefetch = 0 : i64, scratch_operands = 0 : i64, tpu.core_type = #tpu.core_type<tc>, window_params = [{transform_indices = @transform_0, window_bounds = array<i64: 2048, 32>}, {transform_indices = @transform_1, window_bounds = array<i64: 2048, 32>}, {pipeline_mode = #tpu.pipeline_mode<synchronous>, transform_indices = @transform_2, window_bounds = array<i64: 32, 64>}, {pipeline_mode = #tpu.pipeline_mode<synchronous>, transform_indices = @transform_3, window_bounds = array<i64: 32, 64>}, {pipeline_mode = #tpu.pipeline_mode<synchronous>, transform_indices = @transform_4, window_bounds = array<i64: 1, 64>}, {pipeline_mode = #tpu.pipeline_mode<synchronous>, transform_indices = @transform_5, window_bounds = array<i64: 64, 32>}, {pipeline_mode = #tpu.pipeline_mode<synchronous>, transform_indices = @transform_6, window_bounds = array<i64: 1, 32>}, {pipeline_mode = #tpu.pipeline_mode<synchronous>, transform_indices = @transform_7, window_bounds = array<i64: 32, 1>}, {pipeline_mode = #tpu.pipeline_mode<synchronous>, transform_indices = @transform_8, window_bounds = array<i64: 1, 1>}, {transform_indices = @transform_9, window_bounds = array<i64: 2048, 1>}]} {
    %get3A = arith.constant 0 : index
    %get3A_0 = arith.constant 0 : index
    %get3A_1 = vector.load %arg1[%get3A, %get3A_0] : memref<2048x32xf32, #tpu.memory_space<vmem>>, vector<2048x32xf32>
    %get3A_2 = arith.constant 0 : index
    %get3A_3 = arith.constant 0 : index
    %get3A_4 = vector.load %arg3[%get3A_2, %get3A_3] : memref<32x64xf32, #tpu.memory_space<vmem>>, vector<32x64xf32>
    %dot_general3A = arith.constant dense<0.000000e+00> : vector<2048x64xf32>
    %dot_general3A_5 = tpu.matmul %get3A_1, %get3A_4, %dot_general3A {dimension_numbers = #tpu.dot_dimension_numbers<[1], [0], [0], [1], [0, 0, 1, 1], [], []>, transpose_lhs_hint = false} : vector<2048x32xf32>, vector<32x64xf32>, vector<2048x64xf32> -> vector<2048x64xf32>
    %get3A_6 = arith.constant 0 : index
    %get3A_7 = arith.constant 0 : index
    %get3A_8 = vector.load %arg2[%get3A_6, %get3A_7] : memref<2048x32xf32, #tpu.memory_space<vmem>>, vector<2048x32xf32>
    %get3A_9 = arith.constant 0 : index
    %get3A_10 = arith.constant 0 : index
    %get3A_11 = vector.load %arg4[%get3A_9, %get3A_10] : memref<32x64xf32, #tpu.memory_space<vmem>>, vector<32x64xf32>
    %dot_general3A_12 = arith.constant dense<0.000000e+00> : vector<2048x64xf32>
    %dot_general3A_13 = tpu.matmul %get3A_8, %get3A_11, %dot_general3A_12 {dimension_numbers = #tpu.dot_dimension_numbers<[1], [0], [0], [1], [0, 0, 1, 1], [], []>, transpose_lhs_hint = false} : vector<2048x32xf32>, vector<32x64xf32>, vector<2048x64xf32> -> vector<2048x64xf32>
    %add3A = arith.addf %dot_general3A_5, %dot_general3A_13 : vector<2048x64xf32>
    %get3A_14 = arith.constant 0 : index
    %get3A_15 = arith.constant 0 : index
    %get3A_16 = vector.load %arg5[%get3A_14, %get3A_15] : memref<1x64xf32, #tpu.memory_space<vmem>>, vector<1x64xf32>
    %add3A_17 = vector.broadcast %get3A_16 : vector<1x64xf32> to vector<2048x64xf32>
    %add3A_18 = arith.addf %add3A, %add3A_17 : vector<2048x64xf32>
    %max3A = arith.constant 0.000000e+00 : f32
    %max3A_19 = vector.broadcast %max3A : f32 to vector<2048x64xf32>
    %max3A_20 = arith.maximumf %add3A_18, %max3A_19 : vector<2048x64xf32>
    %get3A_21 = arith.constant 0 : index
    %get3A_22 = arith.constant 0 : index
    %get3A_23 = vector.load %arg6[%get3A_21, %get3A_22] : memref<64x32xf32, #tpu.memory_space<vmem>>, vector<64x32xf32>
    %dot_general3A_24 = arith.constant dense<0.000000e+00> : vector<2048x32xf32>
    %dot_general3A_25 = tpu.matmul %max3A_20, %get3A_23, %dot_general3A_24 {dimension_numbers = #tpu.dot_dimension_numbers<[1], [0], [0], [1], [0, 0, 1, 1], [], []>, transpose_lhs_hint = false} : vector<2048x64xf32>, vector<64x32xf32>, vector<2048x32xf32> -> vector<2048x32xf32>
    %get3A_26 = arith.constant 0 : index
    %get3A_27 = arith.constant 0 : index
    %get3A_28 = vector.load %arg7[%get3A_26, %get3A_27] : memref<1x32xf32, #tpu.memory_space<vmem>>, vector<1x32xf32>
    %add3A_29 = vector.broadcast %get3A_28 : vector<1x32xf32> to vector<2048x32xf32>
    %add3A_30 = arith.addf %dot_general3A_25, %add3A_29 : vector<2048x32xf32>
    %max3A_31 = arith.constant 0.000000e+00 : f32
    %max3A_32 = vector.broadcast %max3A_31 : f32 to vector<2048x32xf32>
    %max3A_33 = arith.maximumf %add3A_30, %max3A_32 : vector<2048x32xf32>
    %get3A_34 = arith.constant 0 : index
    %get3A_35 = arith.constant 0 : index
    %get3A_36 = vector.load %arg8[%get3A_34, %get3A_35] : memref<32x1xf32, #tpu.memory_space<vmem>>, vector<32x1xf32>
    %dot_general3A_37 = arith.constant dense<0.000000e+00> : vector<2048x1xf32>
    %dot_general3A_38 = tpu.matmul %max3A_33, %get3A_36, %dot_general3A_37 {dimension_numbers = #tpu.dot_dimension_numbers<[1], [0], [0], [1], [0, 0, 1, 1], [], []>, transpose_lhs_hint = false} : vector<2048x32xf32>, vector<32x1xf32>, vector<2048x1xf32> -> vector<2048x1xf32>
    %get3A_39 = arith.constant 0 : index
    %get3A_40 = arith.constant 0 : index
    %get3A_41 = vector.load %arg9[%get3A_39, %get3A_40] : memref<1x1xf32, #tpu.memory_space<vmem>>, vector<1x1xf32>
    %add3A_42 = vector.broadcast %get3A_41 : vector<1x1xf32> to vector<2048x1xf32>
    %add3A_43 = arith.addf %dot_general3A_38, %add3A_42 : vector<2048x1xf32>
    %swap3A = arith.constant 0 : index
    %swap3A_44 = arith.constant 0 : index
    %swap3A_45 = vector.load %arg10[%swap3A, %swap3A_44] : memref<2048x1xf32, #tpu.memory_space<vmem>>, vector<2048x1xf32>
    tpu.vector_store %arg10[%swap3A, %swap3A_44], %add3A_43 {strides = array<i32>} : memref<2048x1xf32, #tpu.memory_space<vmem>>, vector<2048x1xf32>,
    return
  }
  func.func @transform_0(%arg0: i32) -> (i32, i32) {
    %c0_i32 = arith.constant 0 : i32
    %c0_i32_0 = arith.constant 0 : i32
    return %arg0, %c0_i32 : i32, i32
  }
  func.func @transform_1(%arg0: i32) -> (i32, i32) {
    %c0_i32 = arith.constant 0 : i32
    %c0_i32_0 = arith.constant 0 : i32
    return %arg0, %c0_i32 : i32, i32
  }
  func.func @transform_2(%arg0: i32) -> (i32, i32) {
    %c0_i32 = arith.constant 0 : i32
    %c0_i32_0 = arith.constant 0 : i32
    %c0_i32_1 = arith.constant 0 : i32
    return %c0_i32, %c0_i32_0 : i32, i32
  }
  func.func @transform_3(%arg0: i32) -> (i32, i32) {
    %c0_i32 = arith.constant 0 : i32
    %c0_i32_0 = arith.constant 0 : i32
    %c0_i32_1 = arith.constant 0 : i32
    return %c0_i32, %c0_i32_0 : i32, i32
  }
  func.func @transform_4(%arg0: i32) -> (i32, i32) {
    %c0_i32 = arith.constant 0 : i32
    %c0_i32_0 = arith.constant 0 : i32
    %c0_i32_1 = arith.constant 0 : i32
    return %c0_i32, %c0_i32_0 : i32, i32
  }
  func.func @transform_5(%arg0: i32) -> (i32, i32) {
    %c0_i32 = arith.constant 0 : i32
    %c0_i32_0 = arith.constant 0 : i32
    %c0_i32_1 = arith.constant 0 : i32
    return %c0_i32, %c0_i32_0 : i32, i32
  }
  func.func @transform_6(%arg0: i32) -> (i32, i32) {
    %c0_i32 = arith.constant 0 : i32
    %c0_i32_0 = arith.constant 0 : i32
    %c0_i32_1 = arith.constant 0 : i32
    return %c0_i32, %c0_i32_0 : i32, i32
  }
  func.func @transform_7(%arg0: i32) -> (i32, i32) {
    %c0_i32 = arith.constant 0 : i32
    %c0_i32_0 = arith.constant 0 : i32
    %c0_i32_1 = arith.constant 0 : i32
    return %c0_i32, %c0_i32_0 : i32, i32
  }
  func.func @transform_8(%arg0: i32) -> (i32, i32) {
    %c0_i32 = arith.constant 0 : i32
    %c0_i32_0 = arith.constant 0 : i32
    %c0_i32_1 = arith.constant 0 : i32
    return %c0_i32, %c0_i32_0 : i32, i32
  }
  func.func @transform_9(%arg0: i32) -> (i32, i32) {
    %c0_i32 = arith.constant 0 : i32
    %c0_i32_0 = arith.constant 0 : i32
    return %arg0, %c0_i32 : i32, i32
  }
}

</mosaic_0001>

<sc_bundles>
// kernel: kernel.5.cloned.1.call-start
scs
__scs_entry_jumppad:
0x0: {  	(pc) =	sbr.rel $0x88, $3  }
0x1: {  	(tag) =	ssettag $0x0;
	lr =	simm.s32 $0x1  }
0x2: {  	[smem:$0x3F93] =	sst lr;
	_ =	strace $0xD0000000  }
0x3: {  	_ = 	snop  }
0x4: {  	_ = 	snop  }
0x5: {  	_ = 	snop  }
0x6: {  	_ = 	snop  }
0x7: {  	_ = 	snop  }
__scs_overlays_trampoline_lowered:
0x8: {  	[smem:$0x3FA2] =	sst s0  }
0x9: {  	[smem:$0x3FA3] =	sst s1  }
0xa: {  	[smem:$0x3FA4] =	sst s2  }
0xb: {  	[smem:$0x3FA5] =	sst s3  }
0xc: {  	[smem:$0x3FA6] =	sst s4  }
0xd: {  	[smem:$0x3FA7] =	sst s5  }
0xe: {  	[smem:$0x3FA8] =	sst s6  }
0xf: {  	[smem:$0x3FA9] =	sst s7  }
0x10: {  	[smem:$0x3FAA] =	sst s8  }
0x11: {  	[smem:$0x3FAB] =	sst s9;
	s0 =	simm.s32 @!p0 $0x0  }
0x12: {  	s1 =	sld [smem:$0x3F91];
	s0 =	simm.s32 @p0 $0x1  }
0x13: {  	[smem:$0x3FAC] =	sst s0;
	s0 =	simm.s32 @!p1 $0x0  }
0x14: {  	s2 =	sld [smem:$0x3F90];
	s0 =	simm.s32 @p1 $0x1  }
0x15: {  	[smem:$0x3FAD] =	sst s0;
	s0 =	simm.s32 @!p2 $0x0  }
0x16: {  	s3 =	sld [smem:$0x3FDB];
	s0 =	simm.s32 @p2 $0x1  }
0x17: {  	s4 =	simm.s32 $0x1BF5;
	[smem:$0x3FAF] =	sst s0  }
0x18: {  	s0 =	sld [smem:$0x3F92];
	_ =	swait.ge [sflag:s4], $0x0  }
0x19: {  	s7 =	sld [smem:$0x3F93]  }
0x1a: {  	s8 =	sadd.s32 $0xFFFFE003, lr  }
0x1b: {  	s9 =	sadd.s32 $0xFFFFFEF7, lr;
	s5 =	simm.s32 $0xFFFFFFFF;
	p2 =	slt.u32 s8, $0xFFFFF086  }
0x1c: {  	p1 =	slt.u32 s9, $0xF7A;
	s5 =	simm.s32 @!p2 $0x0  }
0x1d: {  	s5 =	simm.s32 @p1 $0x1;
	p0 =	seq.s32 s7, s2  }
0x1e: {  	s7 =	smul.u32 @!p0 $0xF7A, s2;
	p2 =	seq.s32 @!p0 s5, $0x0  }
0x1f: {  	s9 =	smul.u32 $0xF7A, s1;
	s8 =	simm.s32 @!p0 $0x1BF5;
	p2 =	por !p2, p0  }
0x20: {  	[sflag:s8] =	ssyncset.s32 @!p0 $0xFFFFF086;
	s6 =	sadd.s32 @!p0 s3, s7;
	s7 =	simm.s32 @!p0 $0x108  }
0x21: {  	s3 =	sadd.s32 s3, s9;
	s6 =	sadd.s32 @!p0 $0x88, s6;
	s7 =	simm.s32 @p2 $0x1082  }
0x22: {  	[simem:s7], [sflag:s8] =	dma.local @!p0 [hbm:s6], $0xF7A  }
0x23: {  	s9 =	sor.u32 $0xD0000000, s2;
	s6 =	simm.s32 $0x108;
	_ =	swait.ge @!p0 [sflag:s8], $0x0  }
0x24: {  	s3 =	sadd.s32 $0x88, s3;
	s6 =	simm.s32 @!p1 $0x1082;
	[sflag:s4] =	ssyncset.s32 $0xFFFFF086  }
0x25: {  	[simem:s6], [sflag:s4] =	dma.local [hbm:s3], $0xF7A  }
0x26: {  	[smem:$0x3F93] =	sst s1;
	(tag) =	ssettag s2;
	_ =	strace s9  }
0x27: {  	s1 =	sld [smem:$0x3FA3]  }
0x28: {  	s2 =	sld [smem:$0x3FA4]  }
0x29: {  	s4 =	sld [smem:$0x3FA6]  }
0x2a: {  	p0 =	seq.s32 s5, $0x0;
	s5 =	sld [smem:$0x3FA7]  }
0x2b: {  	s6 =	sld [smem:$0x3FA8]  }
0x2c: {  	s7 =	sld [smem:$0x3FA9]  }
0x2d: {  	s3 =	simm.s32 $0x108;
	s8 =	sld [smem:$0x3FAA]  }
0x2e: {  	s3 =	simm.s32 @!p0 $0x1082;
	s9 =	sld [smem:$0x3FAB]  }
0x2f: {  	lr =	sadd.s32 s0, s3;
	s0 =	sld [smem:$0x3FA2]  }
0x30: {  	s3 =	sld [smem:$0x3FA5]  }
0x31: {  	[smem:$0x3FAE] =	sst s10  }
0x32: {  	s10 =	sld [smem:$0x3FAC];
	_ =	sdelay $0x3  }
0x33: {  	p0 =	seq.s32 s10, $0x1;
	s10 =	sld [smem:$0x3FAE];
	_ =	sdelay $0x3  }
0x34: {  	[smem:$0x3FAE] =	sst s10  }
0x35: {  	s10 =	sld [smem:$0x3FAD];
	_ =	sdelay $0x3  }
0x36: {  	p1 =	seq.s32 s10, $0x1;
	s10 =	sld [smem:$0x3FAE];
	_ =	sdelay $0x3  }
0x37: {  	[smem:$0x3FAE] =	sst s10  }
0x38: {  	s10 =	sld [smem:$0x3FAF]  }
0x39: {  	_ = 	snop;
	(pc) =	sbr.ind lr, $3  }
0x3a: {  	_ = 	snop  }
0x3b: {  	_ = 	snop  }
0x3c: {  	p2 =	seq.s32 s10, $0x1;
	s10 =	sld [smem:$0x3FAE]  }
0x3d: {  	_ =	shalt  }
0x3e: {  	_ =	shalt  }
0x3f: {  	_ =	shalt  }
0x40: {  	_ =	shalt  }
0x41: {  	_ =	shalt  }
0x42: {  	_ =	shalt  }
0x43: {  	_ =	shalt  }
0x44: {  	_ =	shalt  }
0x45: {  	_ =	shalt  }
0x46: {  	_ =	shalt  }
0x47: {  	_ =	shalt  }
0x48: {  	_ =	shalt  }
0x49: {  	_ =	shalt  }
0x4a: {  	_ =	shalt  }
0x4b: {  	_ =	shalt  }
0x4c: {  	_ =	shalt  }
0x4d: {  	_ =	shalt  }
0x4e: {  	_ =	shalt  }
0x4f: {  	_ =	shalt  }
0x50: {  	_ =	shalt  }
0x51: {  	_ =	shalt  }
0x52: {  	_ =	shalt  }
0x53: {  	_ =	shalt  }
0x54: {  	_ =	shalt  }
0x55: {  	_ =	shalt  }
0x56: {  	_ =	shalt  }
0x57: {  	_ =	shalt  }
0x58: {  	_ =	shalt  }
0x59: {  	_ =	shalt  }
0x5a: {  	_ =	shalt  }
0x5b: {  	_ =	shalt  }
0x5c: {  	_ =	shalt  }
0x5d: {  	_ =	shalt  }
0x5e: {  	_ =	shalt  }
0x5f: {  	_ =	shalt  }
0x60: {  	_ =	shalt  }
0x61: {  	_ =	shalt  }
0x62: {  	_ =	shalt  }
0x63: {  	_ =	shalt  }
0x64: {  	_ =	shalt  }
0x65: {  	_ =	shalt  }
0x66: {  	_ =	shalt  }
0x67: {  	_ =	shalt  }
0x68: {  	_ =	shalt  }
0x69: {  	_ =	shalt  }
0x6a: {  	_ =	shalt  }
0x6b: {  	_ =	shalt  }
0x6c: {  	_ =	shalt  }
0x6d: {  	_ =	shalt  }
0x6e: {  	_ =	shalt  }
0x6f: {  	_ =	shalt  }
0x70: {  	_ =	shalt  }
0x71: {  	_ =	shalt  }
0x72: {  	_ =	shalt  }
0x73: {  	_ =	shalt  }
0x74: {  	_ =	shalt  }
0x75: {  	_ =	shalt  }
0x76: {  	_ =	shalt  }
0x77: {  	_ =	shalt  }
0x78: {  	_ =	shalt  }
0x79: {  	_ =	shalt  }
0x7a: {  	_ =	shalt  }
0x7b: {  	_ =	shalt  }
0x7c: {  	_ =	shalt  }
0x7d: {  	_ =	shalt  }
0x7e: {  	_ =	shalt  }
0x7f: {  	_ =	shalt  }
0x80: {  	_ =	shalt  }
0x81: {  	_ =	shalt  }
0x82: {  	_ =	shalt  }
0x83: {  	_ =	shalt  }
0x84: {  	_ =	shalt  }
0x85: {  	_ =	shalt  }
0x86: {  	_ =	shalt  }
0x87: {  	_ =	shalt  }
.Lfunc_end0:
.L_simem_size_0:
called_computation_lowered:
.L_overlay_start_0:
0x88: {  	s2 =	sld [smem:$0x3FD9]  }
0x89: {  	s3 =	sld [smem:$0x3FFE];
	_ =	sdelay $0x1  }
0x8a: {  	s1 =	srdreg.scid  }
0x8b: {  	s0 =	sand.u32 $0x1, s1  }
0x8c: {  	s17 =	sshll.u32 s0, $0xA;
	s2 =	sadd.s32 s3, s2  }
0x8d: {  	s2 =	sadd.s32 s2, s17  }
0x8e: {  	[smem:$0x3FBA] =	sst s2  }
0x8f: {  	_ = 	snop  }
0x90: {  	s2 =	sld [smem:$0x3FC9]  }
0x91: {  	s18 =	sld [smem:$0x3FC8];
	(tm) =	ssettm $0x1  }
0x92: {  	s4 =	sld [smem:$0x3FFB];
	_ =	sdelay $0x3  }
0x93: {  	_ =	strace s4  }
0x94: {  	s4 =	sld [smem:$0x3FFC];
	_ =	sdelay $0x3  }
0x95: {  	_ =	strace s4  }
0x96: {  	s4 =	sld [smem:$0x3FFD];
	_ =	sdelay $0x3  }
0x97: {  	_ =	strace s4  }
0x98: {  	_ =	strace $0x8FFFFFFF  }
0x99: {  	s19 =	sld [smem:$0x3FDB];
	_ =	sdelay $0x1  }
0x9a: {  	s5 =	simm.s32 $_scs_section_size  }
0x9b: {  	s6 =	simm.s32 $_size__tile_overlayer_lowered;
	s7 =	simm.s32 $_tile_overlayer_lowered  }
0x9c: {  	s22 =	simm.s32 $0x1BFF;
	s21 =	sshll.u32 s7, $0x1;
	s4 =	sadd.s32 s5, s19  }
0x9d: {  	s8 =	simm.s32 $0x0;
	s20 =	sshll.u32 s6, $0x1;
	s6 =	sadd.s32 s21, s4  }
0x9e: {  	[timem:s8], [sflag:s22] =	dma.local [hbm:s6], s20  }
0x9f: {  	_ =	swait.ge [sflag:s22], s20  }
0xa0: {  	s5 =	ssub.s32 $0x0, s20;
	[sflag:s22] =	ssyncset.done $0x0  }
0xa1: {  	[sflag:s22] =	ssyncadd.s32 s5;
	_ =	sdelay $0x1  }
0xa2: {  	s23 =	simm.s32 $0x1B8B  }
0xa3: {  	_ =	swait.ge [sflag:s23], $0x1  }
0xa4: {  	[sflag:s23] =	ssyncset.done $0x0  }
0xa5: {  	s25 =	simm.s32 $0x1B8E;
	s24 =	sld [smem:$0x3FFE];
	[sflag:s23] =	ssyncadd.s32 $0xFFFFFFFF  }
0xa6: {  	s26 =	simm.s32 $execute0_lowered;
	[smem:$0x3FD2] =	sst s25  }
0xa7: {  	s6 =	sshll.u32 s26, $0x1;
	_ =	strace $0x80000046;
	[dreg:$0x1] =	wrdreg $0xFFFFFFFF  }
0xa8: {  	s28 =	simm.s32 $_size_execute0_lowered;
	s4 =	sadd.s32 s4, s6;
	[dreg:$0x0] =	wrdreg $0x0  }
0xa9: {  	s6 =	sshll.u32 s28, $0x1;
	[dreg:$0x2] =	wrdreg s4  }
0xaa: {  	[dreg:$0x3] =	wrdreg s6  }
0xab: {  	[dreg:$0x4] =	wrdreg $0xC0  }
0xac: {  	_ =	task [dreg:s8], $0x5FFFF  }
0xad: {  	[dreg:$0x1] =	wrdreg $0xFFFFFFFF  }
0xae: {  	[dreg:$0x0] =	wrdreg $0x60  }
0xaf: {  	[dreg:$0x2] =	wrdreg s24  }
0xb0: {  	[dreg:$0x3] =	wrdreg s2  }
0xb1: {  	[dreg:$0x4] =	wrdreg s18  }
0xb2: {  	[dreg:$0x5] =	wrdreg $0x9  }
0xb3: {  	_ =	task.clear_ibuf [dreg:s8], $0x6FFFF;
	_ =	strace $0x90000046  }
0xb4: {  	s29 =	simm.s32 $0x9;
	_ =	strace $0x80000048  }
0xb5: {  	_ =	swait.ge [sflag:s29], $0x1  }
0xb6: {  	[sflag:s29] =	ssyncadd.s32 $0xFFFFFFFF  }
0xb7: {  	_ =	strace $0x90000048  }
0xb8: {  	_ =	sfence  }
0xb9: {  	s30 =	sld [smem:$0x0];
	_ =	sdelay $0x2  }
0xba: {  	s31 =	sshll.u32 s1, $0xD;
	s1 =	sshrl.u32 s1, $0x2  }
0xbb: {  	s3 =	sand.u32 $0x4000, s31;
	s1 =	sadd.s32 s1, s30  }
0xbc: {  	s0 =	sor.u32 s3, s0;
	s1 =	sshll.u32 s1, $0x11  }
0xbd: {  	s0 =	sor.u32 s1, s0  }
0xbe: {  	s0 =	sadd.s32 $0x8F2B, s0  }
0xbf: {  	[sflag:s0] =	ssyncadd.remote.s32 $0x1  }
0xc0: {  	_ =	sfence.sel $0xFFFF  }
0xc1: {  	[dreg:$0x0] =	wrdreg $0xFFFFFFFF;
	(pc) =	sbr.abs _section_cstart, $3  }
0xc2: {  	[dreg:$0x1] =	wrdreg $0xFFFFFFFF  }
0xc3: {  	_ =	task.clear_ibuf [dreg:s8], $0x2FFFF;
	_ =	strace $0x9FFFFFFF  }
0xc4: {  	(tm) =	ssettm $0x7FFFFFFF  }
0xc5: {  	_ =	shalt  }
tec
execute0_lowered:
.L_overlay_start_1:
0x0: {  	(tag) =	ssettag $0x1  }
0x1: {  	v1 =	vlaneseq.u32  }
0x2: {  	v0 =	vmul.u32 $0x400, v1  }
0x3: {  	v1 =	vmul.u32 $0x80, v1  }
0x4: {  	v10 =	vor.u32 $0x20, v0  }
0x5: {  	v12 =	vor.u32 $0x1, v0;
	v13 =	vor.u32 $0x21, v0;
	v8 =	vor.u32 $0x1, v1  }
0x6: {  	v9 =	vor.u32 $0x2, v0;
	v16 =	vor.u32 $0x22, v0;
	v11 =	vor.u32 $0x2, v1  }
0x7: {  	v18 =	vor.u32 $0x3, v0;
	v19 =	vor.u32 $0x23, v0;
	v14 =	vor.u32 $0x3, v1  }
0x8: {  	v21 =	vor.u32 $0x4, v0;
	v22 =	vor.u32 $0x24, v0;
	v17 =	vor.u32 $0x4, v1  }
0x9: {  	v24 =	vor.u32 $0x5, v0;
	v25 =	vor.u32 $0x25, v0;
	v20 =	vor.u32 $0x5, v1  }
0xa: {  	s4 =	rddreg [dreg:$0x0];
	v27 =	vor.u32 $0x6, v0;
	v28 =	vor.u32 $0x26, v0;
	v23 =	vor.u32 $0x6, v1  }
0xb: {  	s5 =	rddreg [dreg:$0x1];
	v30 =	vor.u32 $0x7, v0;
	v31 =	vor.u32 $0x27, v0;
	v26 =	vor.u32 $0x7, v1  }
0xc: {  	s6 =	rddreg [dreg:$0x2];
	v33 =	vor.u32 $0x8, v0;
	v34 =	vor.u32 $0x28, v0;
	v29 =	vor.u32 $0x8, v1  }
0xd: {  	s0 =	rddreg [dreg:$0x3];
	s1 =	simm.s32 $0x0;
	s2 =	stileid.u32;
	v36 =	vor.u32 $0x9, v0;
	v37 =	vor.u32 $0x29, v0;
	v32 =	vor.u32 $0x9, v1  }
0xe: {  	s7 =	srdreg.scid;
	s12 =	simm.s32 $0x400;
	s13 =	simm.s32 $0x500;
	v39 =	vor.u32 $0xA, v0;
	v40 =	vor.u32 $0x2A, v0;
	v35 =	vor.u32 $0xA, v1  }
0xf: {  	s14 =	simm.s32 $0x480;
	s15 =	simm.s32 $0x8500;
	s16 =	simm.s32 $0x1;
	v42 =	vor.u32 $0xB, v0;
	v43 =	vor.u32 $0x2B, v0;
	v38 =	vor.u32 $0xB, v1  }
0x10: {  	s17 =	simm.s32 $0x2;
	s18 =	simm.s32 $0x10500;
	s19 =	simm.s32 $0x11500;
	v45 =	vor.u32 $0xC, v0;
	v46 =	vor.u32 $0x2C, v0;
	v41 =	vor.u32 $0xC, v1  }
0x11: {  	s20 =	simm.s32 $0x0;
	[smem:$0x7FF] =	sst s1;
	s3 =	sadd.s32 $0x1E00, s4;
	v48 =	vor.u32 $0xD, v0;
	v49 =	vor.u32 $0x2D, v0;
	v2 =	vor.u32 $0x13, v0  }
0x12: {  	s8 =	sshll.u32 s2, $0xE;
	s7 =	sand.u32 $0x1, s7;
	_ =	strace $0x80000047;
	v44 =	vor.u32 $0xD, v1;
	v51 =	vor.u32 $0xE, v0;
	v52 =	vor.u32 $0x2E, v0;
	[tilespmem:$0x1FF90] =	vst v2  }
0x13: {  	s10 =	sshll.u32 s2, $0xA;
	s9 =	ssub.s32 $0x2, s7;
	s11 =	sshll.u32 s7, $0x9;
	v47 =	vor.u32 $0xE, v1;
	v54 =	vor.u32 $0xF, v0;
	v55 =	vor.u32 $0x2F, v0;
	[tilespmem:$0x1FFE0] =	vst v9  }
0x14: {  	s8 =	sadd.s32 s8, s4;
	s7 =	sshll.u32 s7, $0xD;
	s31 =	sshrl.u32 s9, $0x1;
	v50 =	vor.u32 $0xF, v1;
	v57 =	vor.u32 $0x10, v0;
	v2 =	vor.u32 $0x33, v0;
	[tilespmem:$0x1FFF0] =	vst v16  }
0x15: {  	s10 =	sor.u32 s11, s10;
	s8 =	sadd.s32 s7, s8;
	v58 =	vor.u32 $0x30, v0;
	v53 =	vor.u32 $0x10, v1;
	s11 =	simm.s32 $0x20;
	[tilespmem:$0x1FFA0] =	vst v2;
	v2 =	vor.u32 $0x14, v0  }
0x16: {  	v60 =	vor.u32 $0x11, v0;
	v61 =	vor.u32 $0x31, v0;
	s9 =	ssub.s32 s9, s31;
	s10 =	sshrl.u32 s10, $0x3;
	s7 =	sadd.s32 $0xF44200, s8;
	[tilespmem:$0x1FFB0] =	vst v2;
	v2 =	vor.u32 $0x34, v0  }
0x17: {  	v56 =	vor.u32 $0x11, v1;
	v5 =	vor.u32 $0x12, v0;
	s8 =	sadd.s32 $0xF84200, s8;
	s4 =	sadd.s32 s5, s10;
	s5 =	sadd.s32 s6, s10;
	[tilespmem:$0x1FFC0] =	vst v2;
	v2 =	vor.u32 $0x14, v1  }
0x18: {  	v15 =	vor.u32 $0x32, v0;
	v59 =	vor.u32 $0x12, v1;
	v62 =	vor.u32 $0x13, v1;
	s6 =	smax.u32 s9, $0x1;
	s9 =	simm.s32 $0x3;
	s10 =	simm.s32 $0x200;
	[tilespmem:$0x1FFD0] =	vst v2  }
.LBB2_1:
0x19: {  	[tilespmem:s1], [sflag:$0x3] =	stream.linear.gather [hbm4b:s4+s1], $0x200, $0x38;
	[tilespmem:$0x12500] =	vst v63  }
0x1a: {  	_ =	swait.ge [sflag:s9], $0x200  }
0x1b: {  	[sflag:s9] =	ssyncset.done $0x0  }
0x1c: {  	[sflag:s9] =	ssyncadd.s32 $0xFFFFFE00  }
0x1d: {  	[tilespmem:s10], [sflag:$0x3] =	stream.linear.gather [hbm4b:s5+s1], $0x200, $0x38;
	[tilespmem:$0x12500] =	vst v63  }
0x1e: {  	_ =	swait.ge [sflag:s9], $0x200  }
0x1f: {  	s21 =	simm.s32 $0x210;
	[sflag:s9] =	ssyncset.done $0x0  }
0x20: {  	s22 =	simm.s32 $0x10;
	s23 =	simm.s32 $0x0;
	[sflag:s9] =	ssyncadd.s32 $0xFFFFFE00  }
.LBB2_2:
0x21: {  	v2 =	vld [tilespmem:s22+$0xFFFFFFF0]  }
0x22: {  	v63 =	vld [tilespmem:s21+$0xFFFFFFF0];
	_ =	sdelay $0x3  }
0x23: {  	v2 =	vshrl.u32 v2, $0x3  }
0x24: {  	[tilespmem:$0x400] =	vst v2;
	v2 =	vshrl.u32 v63, $0x3  }
0x25: {  	[tilespmem:$0x480] =	vst v2  }
0x26: {  	v2 =	vld [tilespmem:s22+$0x0]  }
0x27: {  	v63 =	vld [tilespmem:s21+$0x0];
	_ =	sdelay $0x3  }
0x28: {  	v2 =	vshrl.u32 v2, $0x3  }
0x29: {  	[tilespmem:$0x410] =	vst v2;
	v2 =	vshrl.u32 v63, $0x3  }
0x2a: {  	[tilespmem:$0x490] =	vst v2  }
0x2b: {  	[tilespmem:s13], [sflag:$0x1] =	stream.indirect.gather [hbm4b:s3+s11], $0x400, s12, s11, $0xb8;
	[tilespmem:$0x12500] =	vst v63  }
0x2c: {  	_ = 	snop  }
0x2d: {  	[tilespmem:s15], [sflag:$0x2] =	stream.indirect.gather [hbm4b:s3+s11], $0x400, s14, s11, $0xb8;
	[tilespmem:$0x12500] =	vst v63  }
0x2e: {  	_ =	swait.ge [sflag:s16], $0x8000  }
0x2f: {  	[sflag:s16] =	ssyncset.done $0x0  }
0x30: {  	[sflag:s16] =	ssyncadd.s32 $0xFFFF8000  }
0x31: {  	_ =	swait.ge [sflag:s17], $0x8000  }
0x32: {  	[sflag:s17] =	ssyncset.done $0x0  }
0x33: {  	[sflag:s17] =	ssyncadd.s32 $0xFFFF8000  }
0x34: {  	v2 =	vld [tilespmem:s22+$0xFFFFFFF0]  }
0x35: {  	v63 =	vld [tilespmem:s21+$0xFFFFFFF0];
	_ =	sdelay $0x3  }
0x36: {  	v2 =	vshll.u32 v2, $0x7  }
0x37: {  	v63 =	vshll.u32 v63, $0x7;
	v2 =	vand.u32 $0x380, v2  }
0x38: {  	v63 =	vand.u32 $0x380, v63;
	v3 =	vor.u32 v0, v2  }
0x39: {  	v4 =	vor.u32 v10, v63;
	_ =	sdelay $0x3  }
0x3a: {  	v3 =	vld.idx.msk [tilespmem:v3+s13+$0x0], $0xffff  }
0x3b: {  	v4 =	vld.idx.msk [tilespmem:v4+s15+$0x0], $0xffff  }
0x3c: {  	v6 =	vor.u32 v12, v2  }
0x3d: {  	v7 =	vor.u32 v13, v63;
	_ =	sdelay $0x1  }
0x3e: {  	[tilespmem:v1+s18+$0x0] =	vst.idx.msk $0xffff, v3  }
0x3f: {  	[tilespmem:v1+s19+$0x0] =	vst.idx.msk $0xffff, v4  }
0x40: {  	v3 =	vld.idx.msk [tilespmem:v6+s13+$0x0], $0xffff  }
0x41: {  	v4 =	vld.idx.msk [tilespmem:v7+s15+$0x0], $0xffff  }
0x42: {  	v6 =	vor.u32 v9, v2  }
0x43: {  	v7 =	vor.u32 v16, v63;
	_ =	sdelay $0x1  }
0x44: {  	[tilespmem:v8+s18+$0x0] =	vst.idx.msk $0xffff, v3  }
0x45: {  	[tilespmem:v8+s19+$0x0] =	vst.idx.msk $0xffff, v4  }
0x46: {  	v3 =	vld.idx.msk [tilespmem:v6+s13+$0x0], $0xffff  }
0x47: {  	v4 =	vld.idx.msk [tilespmem:v7+s15+$0x0], $0xffff  }
0x48: {  	v6 =	vor.u32 v18, v2  }
0x49: {  	v7 =	vor.u32 v19, v63;
	_ =	sdelay $0x1  }
0x4a: {  	[tilespmem:v11+s18+$0x0] =	vst.idx.msk $0xffff, v3  }
0x4b: {  	[tilespmem:v11+s19+$0x0] =	vst.idx.msk $0xffff, v4  }
0x4c: {  	v3 =	vld.idx.msk [tilespmem:v6+s13+$0x0], $0xffff  }
0x4d: {  	v4 =	vld.idx.msk [tilespmem:v7+s15+$0x0], $0xffff  }
0x4e: {  	v6 =	vor.u32 v21, v2  }
0x4f: {  	v7 =	vor.u32 v22, v63;
	_ =	sdelay $0x1  }
0x50: {  	[tilespmem:v14+s18+$0x0] =	vst.idx.msk $0xffff, v3  }
0x51: {  	[tilespmem:v14+s19+$0x0] =	vst.idx.msk $0xffff, v4  }
0x52: {  	v3 =	vld.idx.msk [tilespmem:v6+s13+$0x0], $0xffff  }
0x53: {  	v4 =	vld.idx.msk [tilespmem:v7+s15+$0x0], $0xffff  }
0x54: {  	v6 =	vor.u32 v24, v2  }
0x55: {  	v7 =	vor.u32 v25, v63;
	_ =	sdelay $0x1  }
0x56: {  	[tilespmem:v17+s18+$0x0] =	vst.idx.msk $0xffff, v3  }
0x57: {  	[tilespmem:v17+s19+$0x0] =	vst.idx.msk $0xffff, v4  }
0x58: {  	v3 =	vld.idx.msk [tilespmem:v6+s13+$0x0], $0xffff  }
0x59: {  	v4 =	vld.idx.msk [tilespmem:v7+s15+$0x0], $0xffff  }
0x5a: {  	v6 =	vor.u32 v27, v2  }
0x5b: {  	v7 =	vor.u32 v28, v63;
	_ =	sdelay $0x1  }
0x5c: {  	[tilespmem:v20+s18+$0x0] =	vst.idx.msk $0xffff, v3  }
0x5d: {  	[tilespmem:v20+s19+$0x0] =	vst.idx.msk $0xffff, v4  }
0x5e: {  	v3 =	vld.idx.msk [tilespmem:v6+s13+$0x0], $0xffff  }
0x5f: {  	v4 =	vld.idx.msk [tilespmem:v7+s15+$0x0], $0xffff  }
0x60: {  	v6 =	vor.u32 v30, v2  }
0x61: {  	v7 =	vor.u32 v31, v63;
	_ =	sdelay $0x1  }
0x62: {  	[tilespmem:v23+s18+$0x0] =	vst.idx.msk $0xffff, v3  }
0x63: {  	[tilespmem:v23+s19+$0x0] =	vst.idx.msk $0xffff, v4  }
0x64: {  	v3 =	vld.idx.msk [tilespmem:v6+s13+$0x0], $0xffff  }
0x65: {  	v4 =	vld.idx.msk [tilespmem:v7+s15+$0x0], $0xffff  }
0x66: {  	v6 =	vor.u32 v33, v2  }
0x67: {  	v7 =	vor.u32 v34, v63;
	_ =	sdelay $0x1  }
0x68: {  	[tilespmem:v26+s18+$0x0] =	vst.idx.msk $0xffff, v3  }
0x69: {  	[tilespmem:v26+s19+$0x0] =	vst.idx.msk $0xffff, v4  }
0x6a: {  	v3 =	vld.idx.msk [tilespmem:v6+s13+$0x0], $0xffff  }
0x6b: {  	v4 =	vld.idx.msk [tilespmem:v7+s15+$0x0], $0xffff  }
0x6c: {  	v6 =	vor.u32 v36, v2  }
0x6d: {  	v7 =	vor.u32 v37, v63;
	_ =	sdelay $0x1  }
0x6e: {  	[tilespmem:v29+s18+$0x0] =	vst.idx.msk $0xffff, v3  }
0x6f: {  	[tilespmem:v29+s19+$0x0] =	vst.idx.msk $0xffff, v4  }
0x70: {  	v3 =	vld.idx.msk [tilespmem:v6+s13+$0x0], $0xffff  }
0x71: {  	v4 =	vld.idx.msk [tilespmem:v7+s15+$0x0], $0xffff  }
0x72: {  	v6 =	vor.u32 v39, v2  }
0x73: {  	v7 =	vor.u32 v40, v63;
	_ =	sdelay $0x1  }
0x74: {  	[tilespmem:v32+s18+$0x0] =	vst.idx.msk $0xffff, v3  }
0x75: {  	[tilespmem:v32+s19+$0x0] =	vst.idx.msk $0xffff, v4  }
0x76: {  	v3 =	vld.idx.msk [tilespmem:v6+s13+$0x0], $0xffff  }
0x77: {  	v4 =	vld.idx.msk [tilespmem:v7+s15+$0x0], $0xffff  }
0x78: {  	v6 =	vor.u32 v42, v2  }
0x79: {  	v7 =	vor.u32 v43, v63;
	_ =	sdelay $0x1  }
0x7a: {  	[tilespmem:v35+s18+$0x0] =	vst.idx.msk $0xffff, v3  }
0x7b: {  	[tilespmem:v35+s19+$0x0] =	vst.idx.msk $0xffff, v4  }
0x7c: {  	v3 =	vld.idx.msk [tilespmem:v6+s13+$0x0], $0xffff  }
0x7d: {  	v4 =	vld.idx.msk [tilespmem:v7+s15+$0x0], $0xffff  }
0x7e: {  	v6 =	vor.u32 v45, v2  }
0x7f: {  	v7 =	vor.u32 v46, v63;
	_ =	sdelay $0x1  }
0x80: {  	[tilespmem:v38+s18+$0x0] =	vst.idx.msk $0xffff, v3  }
0x81: {  	[tilespmem:v38+s19+$0x0] =	vst.idx.msk $0xffff, v4  }
0x82: {  	v3 =	vld.idx.msk [tilespmem:v6+s13+$0x0], $0xffff  }
0x83: {  	v4 =	vld.idx.msk [tilespmem:v7+s15+$0x0], $0xffff  }
0x84: {  	v6 =	vor.u32 v48, v2  }
0x85: {  	v7 =	vor.u32 v49, v63;
	_ =	sdelay $0x1  }
0x86: {  	[tilespmem:v41+s18+$0x0] =	vst.idx.msk $0xffff, v3  }
0x87: {  	[tilespmem:v41+s19+$0x0] =	vst.idx.msk $0xffff, v4  }
0x88: {  	v3 =	vld.idx.msk [tilespmem:v6+s13+$0x0], $0xffff  }
0x89: {  	v4 =	vld.idx.msk [tilespmem:v7+s15+$0x0], $0xffff  }
0x8a: {  	v6 =	vor.u32 v51, v2  }
0x8b: {  	v7 =	vor.u32 v52, v63;
	_ =	sdelay $0x1  }
0x8c: {  	[tilespmem:v44+s18+$0x0] =	vst.idx.msk $0xffff, v3  }
0x8d: {  	[tilespmem:v44+s19+$0x0] =	vst.idx.msk $0xffff, v4  }
0x8e: {  	v3 =	vld.idx.msk [tilespmem:v6+s13+$0x0], $0xffff  }
0x8f: {  	v4 =	vld.idx.msk [tilespmem:v7+s15+$0x0], $0xffff  }
0x90: {  	v6 =	vor.u32 v54, v2  }
0x91: {  	v7 =	vor.u32 v55, v63;
	_ =	sdelay $0x1  }
0x92: {  	[tilespmem:v47+s18+$0x0] =	vst.idx.msk $0xffff, v3  }
0x93: {  	[tilespmem:v47+s19+$0x0] =	vst.idx.msk $0xffff, v4  }
0x94: {  	v3 =	vld.idx.msk [tilespmem:v6+s13+$0x0], $0xffff  }
0x95: {  	v4 =	vld.idx.msk [tilespmem:v7+s15+$0x0], $0xffff  }
0x96: {  	v6 =	vor.u32 v57, v2  }
0x97: {  	v7 =	vor.u32 v58, v63;
	_ =	sdelay $0x1  }
0x98: {  	[tilespmem:v50+s18+$0x0] =	vst.idx.msk $0xffff, v3  }
0x99: {  	[tilespmem:v50+s19+$0x0] =	vst.idx.msk $0xffff, v4  }
0x9a: {  	v3 =	vld.idx.msk [tilespmem:v6+s13+$0x0], $0xffff  }
0x9b: {  	v4 =	vld.idx.msk [tilespmem:v7+s15+$0x0], $0xffff  }
0x9c: {  	v6 =	vor.u32 v60, v2  }
0x9d: {  	v7 =	vor.u32 v61, v63;
	_ =	sdelay $0x1  }
0x9e: {  	[tilespmem:v53+s18+$0x0] =	vst.idx.msk $0xffff, v3  }
0x9f: {  	[tilespmem:v53+s19+$0x0] =	vst.idx.msk $0xffff, v4  }
0xa0: {  	v3 =	vld.idx.msk [tilespmem:v6+s13+$0x0], $0xffff  }
0xa1: {  	v4 =	vld.idx.msk [tilespmem:v7+s15+$0x0], $0xffff  }
0xa2: {  	v6 =	vor.u32 v5, v2  }
0xa3: {  	v7 =	vor.u32 v15, v63;
	_ =	sdelay $0x1  }
0xa4: {  	[tilespmem:v56+s18+$0x0] =	vst.idx.msk $0xffff, v3  }
0xa5: {  	[tilespmem:v56+s19+$0x0] =	vst.idx.msk $0xffff, v4  }
0xa6: {  	v3 =	vld.idx.msk [tilespmem:v6+s13+$0x0], $0xffff  }
0xa7: {  	v4 =	vld.idx.msk [tilespmem:v7+s15+$0x0], $0xffff  }
0xa8: {  	v6 =	vld [tilespmem:$0x1FF90]  }
0xa9: {  	v7 =	vld [tilespmem:$0x1FFA0];
	_ =	sdelay $0x3  }
0xaa: {  	v6 =	vor.u32 v6, v2  }
0xab: {  	v7 =	vor.u32 v7, v63;
	_ =	sdelay $0x1  }
0xac: {  	[tilespmem:v59+s18+$0x0] =	vst.idx.msk $0xffff, v3  }
0xad: {  	[tilespmem:v59+s19+$0x0] =	vst.idx.msk $0xffff, v4  }
0xae: {  	v3 =	vld.idx.msk [tilespmem:v6+s13+$0x0], $0xffff  }
0xaf: {  	v4 =	vld.idx.msk [tilespmem:v7+s15+$0x0], $0xffff  }
0xb0: {  	v6 =	vld [tilespmem:$0x1FFB0]  }
0xb1: {  	v7 =	vld [tilespmem:$0x1FFC0];
	_ =	sdelay $0x3  }
0xb2: {  	v6 =	vor.u32 v6, v2  }
0xb3: {  	v7 =	vor.u32 v7, v63  }
0xb4: {  	v9 =	vld [tilespmem:$0x1FFD0]  }
0xb5: {  	[tilespmem:v62+s18+$0x0] =	vst.idx.msk $0xffff, v3  }
0xb6: {  	[tilespmem:v62+s19+$0x0] =	vst.idx.msk $0xffff, v4  }
0xb7: {  	v3 =	vld.idx.msk [tilespmem:v6+s13+$0x0], $0xffff  }
0xb8: {  	v4 =	vld.idx.msk [tilespmem:v7+s15+$0x0], $0xffff;
	v6 =	vor.u32 $0x15, v0  }
0xb9: {  	v7 =	vor.u32 $0x35, v0;
	v6 =	vor.u32 v6, v2  }
0xba: {  	v7 =	vor.u32 v7, v63;
	_ =	sdelay $0x1  }
0xbb: {  	[tilespmem:v9+s18+$0x0] =	vst.idx.msk $0xffff, v3  }
0xbc: {  	[tilespmem:v9+s19+$0x0] =	vst.idx.msk $0xffff, v4  }
0xbd: {  	v4 =	vor.u32 $0x15, v1;
	v3 =	vld.idx.msk [tilespmem:v6+s13+$0x0], $0xffff  }
0xbe: {  	v6 =	vld.idx.msk [tilespmem:v7+s15+$0x0], $0xffff;
	v7 =	vor.u32 $0x16, v0  }
0xbf: {  	v9 =	vor.u32 $0x36, v0;
	v7 =	vor.u32 v7, v2  }
0xc0: {  	v9 =	vor.u32 v9, v63;
	_ =	sdelay $0x1  }
0xc1: {  	[tilespmem:v4+s18+$0x0] =	vst.idx.msk $0xffff, v3  }
0xc2: {  	[tilespmem:v4+s19+$0x0] =	vst.idx.msk $0xffff, v6  }
0xc3: {  	v4 =	vor.u32 $0x16, v1;
	v3 =	vld.idx.msk [tilespmem:v7+s13+$0x0], $0xffff  }
0xc4: {  	v6 =	vld.idx.msk [tilespmem:v9+s15+$0x0], $0xffff;
	v7 =	vor.u32 $0x17, v0  }
0xc5: {  	v9 =	vor.u32 $0x37, v0;
	v7 =	vor.u32 v7, v2  }
0xc6: {  	v9 =	vor.u32 v9, v63;
	_ =	sdelay $0x1  }
0xc7: {  	[tilespmem:v4+s18+$0x0] =	vst.idx.msk $0xffff, v3  }
0xc8: {  	[tilespmem:v4+s19+$0x0] =	vst.idx.msk $0xffff, v6  }
0xc9: {  	v4 =	vor.u32 $0x17, v1;
	v3 =	vld.idx.msk [tilespmem:v7+s13+$0x0], $0xffff  }
0xca: {  	v6 =	vld.idx.msk [tilespmem:v9+s15+$0x0], $0xffff;
	v7 =	vor.u32 $0x18, v0  }
0xcb: {  	v9 =	vor.u32 $0x38, v0;
	v7 =	vor.u32 v7, v2  }
0xcc: {  	v9 =	vor.u32 v9, v63;
	_ =	sdelay $0x1  }
0xcd: {  	[tilespmem:v4+s18+$0x0] =	vst.idx.msk $0xffff, v3  }
0xce: {  	[tilespmem:v4+s19+$0x0] =	vst.idx.msk $0xffff, v6  }
0xcf: {  	v4 =	vor.u32 $0x18, v1;
	v3 =	vld.idx.msk [tilespmem:v7+s13+$0x0], $0xffff  }
0xd0: {  	v6 =	vld.idx.msk [tilespmem:v9+s15+$0x0], $0xffff;
	v7 =	vor.u32 $0x19, v0  }
0xd1: {  	v9 =	vor.u32 $0x39, v0;
	v7 =	vor.u32 v7, v2  }
0xd2: {  	v9 =	vor.u32 v9, v63;
	_ =	sdelay $0x1  }
0xd3: {  	[tilespmem:v4+s18+$0x0] =	vst.idx.msk $0xffff, v3  }
0xd4: {  	[tilespmem:v4+s19+$0x0] =	vst.idx.msk $0xffff, v6  }
0xd5: {  	v4 =	vor.u32 $0x19, v1;
	v3 =	vld.idx.msk [tilespmem:v7+s13+$0x0], $0xffff  }
0xd6: {  	v6 =	vld.idx.msk [tilespmem:v9+s15+$0x0], $0xffff;
	v7 =	vor.u32 $0x1A, v0  }
0xd7: {  	v9 =	vor.u32 $0x3A, v0;
	v7 =	vor.u32 v7, v2  }
0xd8: {  	v9 =	vor.u32 v9, v63;
	_ =	sdelay $0x1  }
0xd9: {  	[tilespmem:v4+s18+$0x0] =	vst.idx.msk $0xffff, v3  }
0xda: {  	[tilespmem:v4+s19+$0x0] =	vst.idx.msk $0xffff, v6  }
0xdb: {  	v4 =	vor.u32 $0x1A, v1;
	v3 =	vld.idx.msk [tilespmem:v7+s13+$0x0], $0xffff  }
0xdc: {  	v6 =	vld.idx.msk [tilespmem:v9+s15+$0x0], $0xffff;
	v7 =	vor.u32 $0x1B, v0  }
0xdd: {  	v9 =	vor.u32 $0x3B, v0;
	v7 =	vor.u32 v7, v2  }
0xde: {  	v9 =	vor.u32 v9, v63;
	_ =	sdelay $0x1  }
0xdf: {  	[tilespmem:v4+s18+$0x0] =	vst.idx.msk $0xffff, v3  }
0xe0: {  	[tilespmem:v4+s19+$0x0] =	vst.idx.msk $0xffff, v6  }
0xe1: {  	v4 =	vor.u32 $0x1B, v1;
	v3 =	vld.idx.msk [tilespmem:v7+s13+$0x0], $0xffff  }
0xe2: {  	v6 =	vld.idx.msk [tilespmem:v9+s15+$0x0], $0xffff;
	v7 =	vor.u32 $0x1C, v0  }
0xe3: {  	v9 =	vor.u32 $0x3C, v0;
	v7 =	vor.u32 v7, v2  }
0xe4: {  	v9 =	vor.u32 v9, v63;
	_ =	sdelay $0x1  }
0xe5: {  	[tilespmem:v4+s18+$0x0] =	vst.idx.msk $0xffff, v3  }
0xe6: {  	[tilespmem:v4+s19+$0x0] =	vst.idx.msk $0xffff, v6  }
0xe7: {  	v4 =	vor.u32 $0x1C, v1;
	v3 =	vld.idx.msk [tilespmem:v7+s13+$0x0], $0xffff  }
0xe8: {  	v6 =	vld.idx.msk [tilespmem:v9+s15+$0x0], $0xffff;
	v7 =	vor.u32 $0x1D, v0  }
0xe9: {  	v9 =	vor.u32 $0x3D, v0;
	v7 =	vor.u32 v7, v2  }
0xea: {  	v9 =	vor.u32 v9, v63;
	_ =	sdelay $0x1  }
0xeb: {  	[tilespmem:v4+s18+$0x0] =	vst.idx.msk $0xffff, v3  }
0xec: {  	[tilespmem:v4+s19+$0x0] =	vst.idx.msk $0xffff, v6  }
0xed: {  	v4 =	vor.u32 $0x1D, v1;
	v3 =	vld.idx.msk [tilespmem:v7+s13+$0x0], $0xffff  }
0xee: {  	v6 =	vld.idx.msk [tilespmem:v9+s15+$0x0], $0xffff;
	v7 =	vor.u32 $0x1E, v0  }
0xef: {  	v9 =	vor.u32 $0x3E, v0;
	v7 =	vor.u32 v7, v2  }
0xf0: {  	v9 =	vor.u32 v9, v63;
	_ =	sdelay $0x1  }
0xf1: {  	[tilespmem:v4+s18+$0x0] =	vst.idx.msk $0xffff, v3  }
0xf2: {  	[tilespmem:v4+s19+$0x0] =	vst.idx.msk $0xffff, v6  }
0xf3: {  	v4 =	vor.u32 $0x1E, v1;
	v3 =	vld.idx.msk [tilespmem:v7+s13+$0x0], $0xffff  }
0xf4: {  	v6 =	vld.idx.msk [tilespmem:v9+s15+$0x0], $0xffff;
	v7 =	vor.u32 $0x1F, v0  }
0xf5: {  	v2 =	vor.u32 v7, v2;
	v7 =	vor.u32 $0x3F, v0  }
0xf6: {  	v7 =	vor.u32 v7, v63;
	_ =	sdelay $0x1  }
0xf7: {  	[tilespmem:v4+s18+$0x0] =	vst.idx.msk $0xffff, v3  }
0xf8: {  	[tilespmem:v4+s19+$0x0] =	vst.idx.msk $0xffff, v6  }
0xf9: {  	v3 =	vor.u32 $0x1F, v1;
	v2 =	vld.idx.msk [tilespmem:v2+s13+$0x0], $0xffff  }
0xfa: {  	v4 =	vld.idx.msk [tilespmem:v7+s15+$0x0], $0xffff;
	_ =	sdelay $0x3  }
0xfb: {  	[tilespmem:v3+s18+$0x0] =	vst.idx.msk $0xffff, v2  }
0xfc: {  	[tilespmem:v3+s19+$0x0] =	vst.idx.msk $0xffff, v4  }
0xfd: {  	v2 =	vld [tilespmem:s22+$0x0]  }
0xfe: {  	v3 =	vld [tilespmem:s21+$0x0];
	_ =	sdelay $0x3  }
0xff: {  	v2 =	vshll.u32 v2, $0x7  }
0x100: {  	v3 =	vshll.u32 v3, $0x7;
	v63 =	vand.u32 $0x380, v2;
	v2 =	vor.u32 $0x4000, v0  }
0x101: {  	v4 =	vor.u32 v2, v63;
	v2 =	vand.u32 $0x380, v3;
	v3 =	vor.u32 $0x4020, v0  }
0x102: {  	v3 =	vor.u32 v3, v2;
	_ =	sdelay $0x3  }
0x103: {  	v6 =	vor.u32 $0x800, v1;
	v4 =	vld.idx.msk [tilespmem:v4+s13+$0x0], $0xffff  }
0x104: {  	v7 =	vor.u32 $0x4001, v0;
	v3 =	vld.idx.msk [tilespmem:v3+s15+$0x0], $0xffff  }
0x105: {  	v9 =	vor.u32 $0x4021, v0;
	v7 =	vor.u32 v7, v63  }
0x106: {  	v9 =	vor.u32 v9, v2;
	_ =	sdelay $0x1  }
0x107: {  	[tilespmem:v6+s18+$0x0] =	vst.idx.msk $0xffff, v4  }
0x108: {  	[tilespmem:v6+s19+$0x0] =	vst.idx.msk $0xffff, v3  }
0x109: {  	v4 =	vor.u32 $0x801, v1;
	v3 =	vld.idx.msk [tilespmem:v7+s13+$0x0], $0xffff  }
0x10a: {  	v6 =	vld.idx.msk [tilespmem:v9+s15+$0x0], $0xffff;
	v7 =	vor.u32 $0x4002, v0  }
0x10b: {  	v9 =	vor.u32 $0x4022, v0;
	v7 =	vor.u32 v7, v63  }
0x10c: {  	v9 =	vor.u32 v9, v2;
	_ =	sdelay $0x1  }
0x10d: {  	[tilespmem:v4+s18+$0x0] =	vst.idx.msk $0xffff, v3  }
0x10e: {  	[tilespmem:v4+s19+$0x0] =	vst.idx.msk $0xffff, v6  }
0x10f: {  	v4 =	vor.u32 $0x802, v1;
	v3 =	vld.idx.msk [tilespmem:v7+s13+$0x0], $0xffff  }
0x110: {  	v6 =	vld.idx.msk [tilespmem:v9+s15+$0x0], $0xffff;
	v7 =	vor.u32 $0x4003, v0  }
0x111: {  	v9 =	vor.u32 $0x4023, v0;
	v7 =	vor.u32 v7, v63  }
0x112: {  	v9 =	vor.u32 v9, v2;
	_ =	sdelay $0x1  }
0x113: {  	[tilespmem:v4+s18+$0x0] =	vst.idx.msk $0xffff, v3  }
0x114: {  	[tilespmem:v4+s19+$0x0] =	vst.idx.msk $0xffff, v6  }
0x115: {  	v4 =	vor.u32 $0x803, v1;
	v3 =	vld.idx.msk [tilespmem:v7+s13+$0x0], $0xffff  }
0x116: {  	v6 =	vld.idx.msk [tilespmem:v9+s15+$0x0], $0xffff;
	v7 =	vor.u32 $0x4004, v0  }
0x117: {  	v9 =	vor.u32 $0x4024, v0;
	v7 =	vor.u32 v7, v63  }
0x118: {  	v9 =	vor.u32 v9, v2;
	_ =	sdelay $0x1  }
0x119: {  	[tilespmem:v4+s18+$0x0] =	vst.idx.msk $0xffff, v3  }
0x11a: {  	[tilespmem:v4+s19+$0x0] =	vst.idx.msk $0xffff, v6  }
0x11b: {  	v4 =	vor.u32 $0x804, v1;
	v3 =	vld.idx.msk [tilespmem:v7+s13+$0x0], $0xffff  }
0x11c: {  	v6 =	vld.idx.msk [tilespmem:v9+s15+$0x0], $0xffff;
	v7 =	vor.u32 $0x4005, v0  }
0x11d: {  	v9 =	vor.u32 $0x4025, v0;
	v7 =	vor.u32 v7, v63  }
0x11e: {  	v9 =	vor.u32 v9, v2;
	_ =	sdelay $0x1  }
0x11f: {  	[tilespmem:v4+s18+$0x0] =	vst.idx.msk $0xffff, v3  }
0x120: {  	[tilespmem:v4+s19+$0x0] =	vst.idx.msk $0xffff, v6  }
0x121: {  	v4 =	vor.u32 $0x805, v1;
	v3 =	vld.idx.msk [tilespmem:v7+s13+$0x0], $0xffff  }
0x122: {  	v6 =	vld.idx.msk [tilespmem:v9+s15+$0x0], $0xffff;
	v7 =	vor.u32 $0x4006, v0  }
0x123: {  	v9 =	vor.u32 $0x4026, v0;
	v7 =	vor.u32 v7, v63  }
0x124: {  	v9 =	vor.u32 v9, v2;
	_ =	sdelay $0x1  }
0x125: {  	[tilespmem:v4+s18+$0x0] =	vst.idx.msk $0xffff, v3  }
0x126: {  	[tilespmem:v4+s19+$0x0] =	vst.idx.msk $0xffff, v6  }
0x127: {  	v4 =	vor.u32 $0x806, v1;
	v3 =	vld.idx.msk [tilespmem:v7+s13+$0x0], $0xffff  }
0x128: {  	v6 =	vld.idx.msk [tilespmem:v9+s15+$0x0], $0xffff;
	v7 =	vor.u32 $0x4007, v0  }
0x129: {  	v9 =	vor.u32 $0x4027, v0;
	v7 =	vor.u32 v7, v63  }
0x12a: {  	v9 =	vor.u32 v9, v2;
	_ =	sdelay $0x1  }
0x12b: {  	[tilespmem:v4+s18+$0x0] =	vst.idx.msk $0xffff, v3  }
0x12c: {  	[tilespmem:v4+s19+$0x0] =	vst.idx.msk $0xffff, v6  }
0x12d: {  	v4 =	vor.u32 $0x807, v1;
	v3 =	vld.idx.msk [tilespmem:v7+s13+$0x0], $0xffff  }
0x12e: {  	v6 =	vld.idx.msk [tilespmem:v9+s15+$0x0], $0xffff;
	v7 =	vor.u32 $0x4008, v0  }
0x12f: {  	v9 =	vor.u32 $0x4028, v0;
	v7 =	vor.u32 v7, v63  }
0x130: {  	v9 =	vor.u32 v9, v2;
	_ =	sdelay $0x1  }
0x131: {  	[tilespmem:v4+s18+$0x0] =	vst.idx.msk $0xffff, v3  }
0x132: {  	[tilespmem:v4+s19+$0x0] =	vst.idx.msk $0xffff, v6  }
0x133: {  	v4 =	vor.u32 $0x808, v1;
	v3 =	vld.idx.msk [tilespmem:v7+s13+$0x0], $0xffff  }
0x134: {  	v6 =	vld.idx.msk [tilespmem:v9+s15+$0x0], $0xffff;
	v7 =	vor.u32 $0x4009, v0  }
0x135: {  	v9 =	vor.u32 $0x4029, v0;
	v7 =	vor.u32 v7, v63  }
0x136: {  	v9 =	vor.u32 v9, v2;
	_ =	sdelay $0x1  }
0x137: {  	[tilespmem:v4+s18+$0x0] =	vst.idx.msk $0xffff, v3  }
0x138: {  	[tilespmem:v4+s19+$0x0] =	vst.idx.msk $0xffff, v6  }
0x139: {  	v4 =	vor.u32 $0x809, v1;
	v3 =	vld.idx.msk [tilespmem:v7+s13+$0x0], $0xffff  }
0x13a: {  	v6 =	vld.idx.msk [tilespmem:v9+s15+$0x0], $0xffff;
	v7 =	vor.u32 $0x400A, v0  }
0x13b: {  	v9 =	vor.u32 $0x402A, v0;
	v7 =	vor.u32 v7, v63  }
0x13c: {  	v9 =	vor.u32 v9, v2;
	_ =	sdelay $0x1  }
0x13d: {  	[tilespmem:v4+s18+$0x0] =	vst.idx.msk $0xffff, v3  }
0x13e: {  	[tilespmem:v4+s19+$0x0] =	vst.idx.msk $0xffff, v6  }
0x13f: {  	v4 =	vor.u32 $0x80A, v1;
	v3 =	vld.idx.msk [tilespmem:v7+s13+$0x0], $0xffff  }
0x140: {  	v6 =	vld.idx.msk [tilespmem:v9+s15+$0x0], $0xffff;
	v7 =	vor.u32 $0x400B, v0  }
0x141: {  	v9 =	vor.u32 $0x402B, v0;
	v7 =	vor.u32 v7, v63  }
0x142: {  	v9 =	vor.u32 v9, v2;
	_ =	sdelay $0x1  }
0x143: {  	[tilespmem:v4+s18+$0x0] =	vst.idx.msk $0xffff, v3  }
0x144: {  	[tilespmem:v4+s19+$0x0] =	vst.idx.msk $0xffff, v6  }
0x145: {  	v4 =	vor.u32 $0x80B, v1;
	v3 =	vld.idx.msk [tilespmem:v7+s13+$0x0], $0xffff  }
0x146: {  	v6 =	vld.idx.msk [tilespmem:v9+s15+$0x0], $0xffff;
	v7 =	vor.u32 $0x400C, v0  }
0x147: {  	v9 =	vor.u32 $0x402C, v0;
	v7 =	vor.u32 v7, v63  }
0x148: {  	v9 =	vor.u32 v9, v2;
	_ =	sdelay $0x1  }
0x149: {  	[tilespmem:v4+s18+$0x0] =	vst.idx.msk $0xffff, v3  }
0x14a: {  	[tilespmem:v4+s19+$0x0] =	vst.idx.msk $0xffff, v6  }
0x14b: {  	v4 =	vor.u32 $0x80C, v1;
	v3 =	vld.idx.msk [tilespmem:v7+s13+$0x0], $0xffff  }
0x14c: {  	v6 =	vld.idx.msk [tilespmem:v9+s15+$0x0], $0xffff;
	v7 =	vor.u32 $0x400D, v0  }
0x14d: {  	v9 =	vor.u32 $0x402D, v0;
	v7 =	vor.u32 v7, v63  }
0x14e: {  	v9 =	vor.u32 v9, v2;
	_ =	sdelay $0x1  }
0x14f: {  	[tilespmem:v4+s18+$0x0] =	vst.idx.msk $0xffff, v3  }
0x150: {  	[tilespmem:v4+s19+$0x0] =	vst.idx.msk $0xffff, v6  }
0x151: {  	v4 =	vor.u32 $0x80D, v1;
	v3 =	vld.idx.msk [tilespmem:v7+s13+$0x0], $0xffff  }
0x152: {  	v6 =	vld.idx.msk [tilespmem:v9+s15+$0x0], $0xffff;
	v7 =	vor.u32 $0x400E, v0  }
0x153: {  	v9 =	vor.u32 $0x402E, v0;
	v7 =	vor.u32 v7, v63  }
0x154: {  	v9 =	vor.u32 v9, v2;
	_ =	sdelay $0x1  }
0x155: {  	[tilespmem:v4+s18+$0x0] =	vst.idx.msk $0xffff, v3  }
0x156: {  	[tilespmem:v4+s19+$0x0] =	vst.idx.msk $0xffff, v6  }
0x157: {  	v4 =	vor.u32 $0x80E, v1;
	v3 =	vld.idx.msk [tilespmem:v7+s13+$0x0], $0xffff  }
0x158: {  	v6 =	vld.idx.msk [tilespmem:v9+s15+$0x0], $0xffff;
	v7 =	vor.u32 $0x400F, v0  }
0x159: {  	v9 =	vor.u32 $0x402F, v0;
	v7 =	vor.u32 v7, v63  }
0x15a: {  	v9 =	vor.u32 v9, v2;
	_ =	sdelay $0x1  }
0x15b: {  	[tilespmem:v4+s18+$0x0] =	vst.idx.msk $0xffff, v3  }
0x15c: {  	[tilespmem:v4+s19+$0x0] =	vst.idx.msk $0xffff, v6  }
0x15d: {  	v4 =	vor.u32 $0x80F, v1;
	v3 =	vld.idx.msk [tilespmem:v7+s13+$0x0], $0xffff  }
0x15e: {  	v6 =	vld.idx.msk [tilespmem:v9+s15+$0x0], $0xffff;
	v7 =	vor.u32 $0x4010, v0  }
0x15f: {  	v9 =	vor.u32 $0x4030, v0;
	v7 =	vor.u32 v7, v63  }
0x160: {  	v9 =	vor.u32 v9, v2;
	_ =	sdelay $0x1  }
0x161: {  	[tilespmem:v4+s18+$0x0] =	vst.idx.msk $0xffff, v3  }
0x162: {  	[tilespmem:v4+s19+$0x0] =	vst.idx.msk $0xffff, v6  }
0x163: {  	v4 =	vor.u32 $0x810, v1;
	v3 =	vld.idx.msk [tilespmem:v7+s13+$0x0], $0xffff  }
0x164: {  	v6 =	vld.idx.msk [tilespmem:v9+s15+$0x0], $0xffff;
	v7 =	vor.u32 $0x4011, v0  }
0x165: {  	v9 =	vor.u32 $0x4031, v0;
	v7 =	vor.u32 v7, v63  }
0x166: {  	v9 =	vor.u32 v9, v2;
	_ =	sdelay $0x1  }
0x167: {  	[tilespmem:v4+s18+$0x0] =	vst.idx.msk $0xffff, v3  }
0x168: {  	[tilespmem:v4+s19+$0x0] =	vst.idx.msk $0xffff, v6  }
0x169: {  	v4 =	vor.u32 $0x811, v1;
	v3 =	vld.idx.msk [tilespmem:v7+s13+$0x0], $0xffff  }
0x16a: {  	v6 =	vld.idx.msk [tilespmem:v9+s15+$0x0], $0xffff;
	v7 =	vor.u32 $0x4012, v0  }
0x16b: {  	v9 =	vor.u32 $0x4032, v0;
	v7 =	vor.u32 v7, v63  }
0x16c: {  	v9 =	vor.u32 v9, v2;
	_ =	sdelay $0x1  }
0x16d: {  	[tilespmem:v4+s18+$0x0] =	vst.idx.msk $0xffff, v3  }
0x16e: {  	[tilespmem:v4+s19+$0x0] =	vst.idx.msk $0xffff, v6  }
0x16f: {  	v4 =	vor.u32 $0x812, v1;
	v3 =	vld.idx.msk [tilespmem:v7+s13+$0x0], $0xffff  }
0x170: {  	v6 =	vld.idx.msk [tilespmem:v9+s15+$0x0], $0xffff;
	v7 =	vor.u32 $0x4013, v0  }
0x171: {  	v9 =	vor.u32 $0x4033, v0;
	v7 =	vor.u32 v7, v63  }
0x172: {  	v9 =	vor.u32 v9, v2;
	_ =	sdelay $0x1  }
0x173: {  	[tilespmem:v4+s18+$0x0] =	vst.idx.msk $0xffff, v3  }
0x174: {  	[tilespmem:v4+s19+$0x0] =	vst.idx.msk $0xffff, v6  }
0x175: {  	v4 =	vor.u32 $0x813, v1;
	v3 =	vld.idx.msk [tilespmem:v7+s13+$0x0], $0xffff  }
0x176: {  	v6 =	vld.idx.msk [tilespmem:v9+s15+$0x0], $0xffff;
	v7 =	vor.u32 $0x4014, v0  }
0x177: {  	v9 =	vor.u32 $0x4034, v0;
	v7 =	vor.u32 v7, v63  }
0x178: {  	v9 =	vor.u32 v9, v2;
	_ =	sdelay $0x1  }
0x179: {  	[tilespmem:v4+s18+$0x0] =	vst.idx.msk $0xffff, v3  }
0x17a: {  	[tilespmem:v4+s19+$0x0] =	vst.idx.msk $0xffff, v6  }
0x17b: {  	v4 =	vor.u32 $0x814, v1;
	v3 =	vld.idx.msk [tilespmem:v7+s13+$0x0], $0xffff  }
0x17c: {  	v6 =	vld.idx.msk [tilespmem:v9+s15+$0x0], $0xffff;
	v7 =	vor.u32 $0x4015, v0  }
0x17d: {  	v9 =	vor.u32 $0x4035, v0;
	v7 =	vor.u32 v7, v63  }
0x17e: {  	v9 =	vor.u32 v9, v2;
	_ =	sdelay $0x1  }
0x17f: {  	[tilespmem:v4+s18+$0x0] =	vst.idx.msk $0xffff, v3  }
0x180: {  	[tilespmem:v4+s19+$0x0] =	vst.idx.msk $0xffff, v6  }
0x181: {  	v4 =	vor.u32 $0x815, v1;
	v3 =	vld.idx.msk [tilespmem:v7+s13+$0x0], $0xffff  }
0x182: {  	v6 =	vld.idx.msk [tilespmem:v9+s15+$0x0], $0xffff;
	v7 =	vor.u32 $0x4016, v0  }
0x183: {  	v9 =	vor.u32 $0x4036, v0;
	v7 =	vor.u32 v7, v63  }
0x184: {  	v9 =	vor.u32 v9, v2;
	_ =	sdelay $0x1  }
0x185: {  	[tilespmem:v4+s18+$0x0] =	vst.idx.msk $0xffff, v3  }
0x186: {  	[tilespmem:v4+s19+$0x0] =	vst.idx.msk $0xffff, v6  }
0x187: {  	v4 =	vor.u32 $0x816, v1;
	v3 =	vld.idx.msk [tilespmem:v7+s13+$0x0], $0xffff  }
0x188: {  	v6 =	vld.idx.msk [tilespmem:v9+s15+$0x0], $0xffff;
	v7 =	vor.u32 $0x4017, v0  }
0x189: {  	v9 =	vor.u32 $0x4037, v0;
	v7 =	vor.u32 v7, v63  }
0x18a: {  	v9 =	vor.u32 v9, v2;
	_ =	sdelay $0x1  }
0x18b: {  	[tilespmem:v4+s18+$0x0] =	vst.idx.msk $0xffff, v3  }
0x18c: {  	[tilespmem:v4+s19+$0x0] =	vst.idx.msk $0xffff, v6  }
0x18d: {  	v4 =	vor.u32 $0x817, v1;
	v3 =	vld.idx.msk [tilespmem:v7+s13+$0x0], $0xffff  }
0x18e: {  	v6 =	vld.idx.msk [tilespmem:v9+s15+$0x0], $0xffff;
	v7 =	vor.u32 $0x4018, v0  }
0x18f: {  	v9 =	vor.u32 $0x4038, v0;
	v7 =	vor.u32 v7, v63  }
0x190: {  	v9 =	vor.u32 v9, v2;
	_ =	sdelay $0x1  }
0x191: {  	[tilespmem:v4+s18+$0x0] =	vst.idx.msk $0xffff, v3  }
0x192: {  	[tilespmem:v4+s19+$0x0] =	vst.idx.msk $0xffff, v6  }
0x193: {  	v4 =	vor.u32 $0x818, v1;
	v3 =	vld.idx.msk [tilespmem:v7+s13+$0x0], $0xffff  }
0x194: {  	v6 =	vld.idx.msk [tilespmem:v9+s15+$0x0], $0xffff;
	v7 =	vor.u32 $0x4019, v0  }
0x195: {  	v9 =	vor.u32 $0x4039, v0;
	v7 =	vor.u32 v7, v63  }
0x196: {  	v9 =	vor.u32 v9, v2;
	_ =	sdelay $0x1  }
0x197: {  	[tilespmem:v4+s18+$0x0] =	vst.idx.msk $0xffff, v3  }
0x198: {  	[tilespmem:v4+s19+$0x0] =	vst.idx.msk $0xffff, v6  }
0x199: {  	v4 =	vor.u32 $0x819, v1;
	v3 =	vld.idx.msk [tilespmem:v7+s13+$0x0], $0xffff  }
0x19a: {  	v6 =	vld.idx.msk [tilespmem:v9+s15+$0x0], $0xffff;
	v7 =	vor.u32 $0x401A, v0  }
0x19b: {  	v9 =	vor.u32 $0x403A, v0;
	v7 =	vor.u32 v7, v63  }
0x19c: {  	v9 =	vor.u32 v9, v2;
	_ =	sdelay $0x1  }
0x19d: {  	[tilespmem:v4+s18+$0x0] =	vst.idx.msk $0xffff, v3  }
0x19e: {  	[tilespmem:v4+s19+$0x0] =	vst.idx.msk $0xffff, v6  }
0x19f: {  	v4 =	vor.u32 $0x81A, v1;
	v3 =	vld.idx.msk [tilespmem:v7+s13+$0x0], $0xffff  }
0x1a0: {  	v6 =	vld.idx.msk [tilespmem:v9+s15+$0x0], $0xffff;
	v7 =	vor.u32 $0x401B, v0  }
0x1a1: {  	v9 =	vor.u32 $0x403B, v0;
	v7 =	vor.u32 v7, v63  }
0x1a2: {  	v9 =	vor.u32 v9, v2;
	_ =	sdelay $0x1  }
0x1a3: {  	[tilespmem:v4+s18+$0x0] =	vst.idx.msk $0xffff, v3  }
0x1a4: {  	[tilespmem:v4+s19+$0x0] =	vst.idx.msk $0xffff, v6  }
0x1a5: {  	v4 =	vor.u32 $0x81B, v1;
	v3 =	vld.idx.msk [tilespmem:v7+s13+$0x0], $0xffff  }
0x1a6: {  	v6 =	vld.idx.msk [tilespmem:v9+s15+$0x0], $0xffff;
	v7 =	vor.u32 $0x401C, v0  }
0x1a7: {  	v9 =	vor.u32 $0x403C, v0;
	v7 =	vor.u32 v7, v63  }
0x1a8: {  	v9 =	vor.u32 v9, v2;
	_ =	sdelay $0x1  }
0x1a9: {  	[tilespmem:v4+s18+$0x0] =	vst.idx.msk $0xffff, v3  }
0x1aa: {  	[tilespmem:v4+s19+$0x0] =	vst.idx.msk $0xffff, v6  }
0x1ab: {  	v4 =	vor.u32 $0x81C, v1;
	v3 =	vld.idx.msk [tilespmem:v7+s13+$0x0], $0xffff  }
0x1ac: {  	v6 =	vld.idx.msk [tilespmem:v9+s15+$0x0], $0xffff;
	v7 =	vor.u32 $0x401D, v0  }
0x1ad: {  	v9 =	vor.u32 $0x403D, v0;
	v7 =	vor.u32 v7, v63  }
0x1ae: {  	v9 =	vor.u32 v9, v2;
	_ =	sdelay $0x1  }
0x1af: {  	[tilespmem:v4+s18+$0x0] =	vst.idx.msk $0xffff, v3  }
0x1b0: {  	[tilespmem:v4+s19+$0x0] =	vst.idx.msk $0xffff, v6  }
0x1b1: {  	v4 =	vor.u32 $0x81D, v1;
	v3 =	vld.idx.msk [tilespmem:v7+s13+$0x0], $0xffff  }
0x1b2: {  	v6 =	vld.idx.msk [tilespmem:v9+s15+$0x0], $0xffff;
	v7 =	vor.u32 $0x401E, v0  }
0x1b3: {  	v9 =	vor.u32 $0x403E, v0;
	v7 =	vor.u32 v7, v63  }
0x1b4: {  	v9 =	vor.u32 v9, v2;
	_ =	sdelay $0x1  }
0x1b5: {  	[tilespmem:v4+s18+$0x0] =	vst.idx.msk $0xffff, v3  }
0x1b6: {  	[tilespmem:v4+s19+$0x0] =	vst.idx.msk $0xffff, v6  }
0x1b7: {  	v4 =	vor.u32 $0x81E, v1;
	v3 =	vld.idx.msk [tilespmem:v7+s13+$0x0], $0xffff  }
0x1b8: {  	v6 =	vld.idx.msk [tilespmem:v9+s15+$0x0], $0xffff;
	v7 =	vor.u32 $0x401F, v0  }
0x1b9: {  	v9 =	vor.u32 $0x403F, v0;
	v7 =	vor.u32 v7, v63  }
0x1ba: {  	v2 =	vor.u32 v9, v2;
	_ =	sdelay $0x1  }
0x1bb: {  	[tilespmem:v4+s18+$0x0] =	vst.idx.msk $0xffff, v3  }
0x1bc: {  	[tilespmem:v4+s19+$0x0] =	vst.idx.msk $0xffff, v6  }
0x1bd: {  	v4 =	vor.u32 $0x81F, v1;
	v3 =	vld.idx.msk [tilespmem:v7+s13+$0x0], $0xffff  }
0x1be: {  	v2 =	vld.idx.msk [tilespmem:v2+s15+$0x0], $0xffff;
	_ =	sdelay $0x3  }
0x1bf: {  	[tilespmem:v4+s18+$0x0] =	vst.idx.msk $0xffff, v3  }
0x1c0: {  	s24 =	sadd.s32 s23, s7;
	[tilespmem:v4+s19+$0x0] =	vst.idx.msk $0xffff, v2  }
0x1c1: {  	v16 =	vld [tilespmem:$0x1FFF0];
	[hbm4b:s24+s1] =	stream.linear.scatter [tilespmem:s18], [sflag:$0x3], $0x1000, $0x38  }
0x1c2: {  	v9 =	vld [tilespmem:$0x1FFE0];
	_ =	swait.ge [sflag:s9], $0x1000  }
0x1c3: {  	p0 =	sne.s32 s23, $0x1E00;
	[sflag:s9] =	ssyncset.done $0x0  }
.Ltmp0:
0x1c4: {  	s31 =	sadd.s32 s23, s8;
	[sflag:s9] =	ssyncadd.s32 $0xFFFFF000;
	(pc) =	sbr.rel @p0 .LBB2_2-.Ltmp0, $4  }
0x1c5: {  	[hbm4b:s31+s1] =	stream.linear.scatter [tilespmem:s19], [sflag:$0x3], $0x1000, $0x38;
	[tilespmem:$0x12500] =	vst v63  }
0x1c6: {  	_ =	swait.ge [sflag:s9], $0x1000  }
0x1c7: {  	s23 =	sadd.s32 $0x200, s23;
	[sflag:s9] =	ssyncset.done $0x0  }
0x1c8: {  	s21 =	sadd.s32 $0x20, s21;
	s22 =	sadd.s32 $0x20, s22;
	[sflag:s9] =	ssyncadd.s32 $0xFFFFF000  }
0x1c9: {  	s20 =	sadd.s32 $0x1, s20  }
0x1ca: {  	p0 =	sne.s32 s20, s6  }
.Ltmp1:
0x1cb: {  	_ = 	snop;
	(pc) =	sbr.rel @p0 .LBB2_1-.Ltmp1, $1  }
0x1cc: {  	_ =	sdelay $0x3  }
0x1cd: {  	_ =	sfence.sel $0x180000  }
0x1ce: {  	[bflag:$0x0] =	sbarrier.arrive $0xFFFF  }
0x1cf: {  	p0 =	sne.s32 s2, $0x0;
	_ =	strace $0x90000047  }
0x1d0: {  	s0 =	sadd.s32 @!p0 $0x100000, s0;
	[bflag:$0x2] =	sbarrier.arrive $0xFFFF  }
0x1d1: {  	[sflag:s0] =	ssyncadd.tile.s32 @!p0 $0x1;
	_ =	shalt  }
.Lfunc_end2:
_tile_overlayer_lowered:
.L_overlay_start_2:
0x1d2: {  	(tag) =	ssettag $0x2  }
0x1d3: {  	s0 =	rddreg [dreg:$0x0];
	s2 =	stileid.u32  }
0x1d4: {  	s1 =	rddreg [dreg:$0x1];
	p0 =	sne.s32 s2, $0x0  }
0x1d5: {  	s3 =	rddreg [dreg:$0x2];
	[bflag:$0x3] =	sbarrier.arrive $0xFFFF;
	s2 =	simm.s32 @!p0 $0x1C03  }
0x1d6: {  	[timem:s3], [sflag:s2] =	dma.local @!p0 [hbm:s0], s1  }
0x1d7: {  	s0 =	simm.s32 @!p0 $0x3  }
0x1d8: {  	_ =	swait.ge @!p0 [sflag:s0], s1  }
0x1d9: {  	s1 =	ssub.s32 @!p0 $0x0, s1;
	[sflag:s0] =	ssyncset.done @!p0 $0x0  }
0x1da: {  	[sflag:s0] =	ssyncadd.s32 @!p0 s1  }
0x1db: {  	[bflag:$0x3] =	sbarrier.arrive $0xFFFF  }
0x1dc: {  	_ =	shalt  }

</sc_bundles>
